<compile_context>
chip_gen: v7x
topology: tpu7x:2x2x1
jax: 0.10.2.dev20260603
libtpu: 0.0.44.dev20260713+nightly
codegen_flags: <defaults>
</compile_context>

<pallas_src>
import functools

import jax
import jax.numpy as jnp
from jax import lax
from jax.experimental import pallas as pl
from jax.experimental.pallas import tpu as pltpu
from jax.experimental.pallas import tpu_sc as plsc

N_BINS = 10
B_BLK = 32
NC, NS, L = 2, 16, 16


def _membership_body(hw_ref, pred_ref, truth_ref, m_ref, c_s, lo_s, hi_s):
    p = pred_ref[...]
    t = truth_ref[...]
    lt = p < t[:, :, None]
    c_s[...] = jnp.sum(lt.astype(jnp.float32), axis=2)
    lo_s[...] = jnp.max(jnp.where(lt, p, -jnp.inf), axis=2)
    hi_s[...] = jnp.min(jnp.where(lt, jnp.inf, p), axis=2)
    c = c_s[...].astype(jnp.int32)
    lo = lo_s[...]
    hi = hi_s[...]
    k = c // 10
    is_b = (c == k * 10) & (k >= 1) & (k <= 9)
    kc = jnp.clip(k, 1, 9)
    hwk = jnp.zeros_like(t)
    for j in range(1, N_BINS):
        hwk = jnp.where(kc == j, hw_ref[0, j], hwk)
    lwk = 1.0 - hwk
    q = lo * lwk + hi * hwk
    m_boundary = k + (t > q).astype(jnp.int32)
    m_base = 1 + jnp.maximum(c - 1, 0) // 10
    m_ref[...] = jnp.where(is_b, m_boundary, m_base)


def _sc_bincount_body(m_hbm, out_hbm, chunk_v, res_v):
    cid = lax.axis_index("c")
    sid = lax.axis_index("s")
    wid = cid * NS + sid
    ch = chunk_v.shape[0]
    pltpu.sync_copy(m_hbm.at[pl.ds(wid * ch, ch)], chunk_v)

    ones = jnp.full((L,), 1, jnp.int32)
    zeros = jnp.full((L,), 0, jnp.int32)

    def body(i, accs):
        v = chunk_v[pl.ds(i * L, L)]
        return tuple(acc + jnp.where(v >= jnp.full((L,), b + 1, jnp.int32),
                                     ones, zeros)
                     for b, acc in enumerate(accs))

    accs0 = tuple(jnp.zeros((L,), jnp.int32) for _ in range(N_BINS))
    accs = lax.fori_loop(0, ch // L, body, accs0)

    lanes = lax.iota(jnp.int32, L)
    perms = [lanes ^ jnp.full((L,), p, jnp.int32) for p in (1, 2, 4, 8)]

    dnums = lax.GatherDimensionNumbers(
        offset_dims=(), collapsed_slice_dims=(0,), start_index_map=(0,))

    def lanesum(v):
        for p in perms:
            v = v + lax.gather(v, p[:, None], dnums, slice_sizes=(1,),
                               mode=lax.GatherScatterMode.PROMISE_IN_BOUNDS)
        return v

    totals = [lanesum(a) for a in accs] + [zeros]
    res = zeros
    for b in range(N_BINS):
        res = jnp.where(lanes == jnp.full((L,), b, jnp.int32),
                        totals[b] - totals[b + 1], res)
    res_v[...] = res
    pltpu.sync_copy(res_v, out_hbm.at[wid])


def kernel(prediction, truth):
    B, D, S = prediction.shape

    qs = jnp.linspace(0.0, 1.0, N_BINS + 1)
    pos = qs * (S - 1)
    hw = pos - jnp.floor(pos)
    hw16 = jnp.zeros((1, 16), jnp.float32).at[0, : N_BINS + 1].set(hw)

    membership = pl.pallas_call(
        _membership_body,
        grid=(B // B_BLK,),
        in_specs=[
            pl.BlockSpec(memory_space=pltpu.SMEM),
            pl.BlockSpec((B_BLK, D, S), lambda i: (i, 0, 0)),
            pl.BlockSpec((B_BLK, D), lambda i: (i, 0)),
        ],
        out_specs=pl.BlockSpec((B_BLK, D), lambda i: (i, 0)),
        out_shape=jax.ShapeDtypeStruct((B, D), jnp.int32),
        scratch_shapes=[
            pltpu.VMEM((B_BLK, D), jnp.float32),
            pltpu.VMEM((B_BLK, D), jnp.float32),
            pltpu.VMEM((B_BLK, D), jnp.float32),
        ],
    )(hw16, prediction, truth)

    tot = B * D
    ch = tot // (NC * NS)
    mesh = plsc.VectorSubcoreMesh(core_axis_name="c", subcore_axis_name="s")
    sc_bincount = functools.partial(
        pl.kernel,
        mesh=mesh,
        out_type=jax.ShapeDtypeStruct((NC * NS, L), jnp.int32),
        scratch_types=[
            pltpu.VMEM((ch,), jnp.int32),
            pltpu.VMEM((L,), jnp.int32),
        ],
    )(_sc_bincount_body)
    partial_counts = sc_bincount(membership.reshape(tot))

    return partial_counts.sum(axis=0)[:N_BINS].astype(jnp.float32)

# --- scband reference (transcript-rebuilt; emitter-appended) ---
"""Pipeline reference for scband-qice-24335284699361 (READ-ONLY COPY).

The authoritative reference and input builder live on the scoring server;
editing this copy changes nothing except your own understanding.
"""

import jax, jax.numpy as jnp
import numpy as np

N_BINS = 10


def setup_inputs(seed: int = 0) -> dict:
    key = jax.random.key(seed)
    k1, k2 = jax.random.split(key)
    prediction = jax.random.normal(k1, (512, 256, 100), dtype=jnp.float32)
    truth = jax.random.normal(k2, (512, 256), dtype=jnp.float32)
    return {"prediction": prediction, "truth": truth}


def reference(prediction, truth):
    n_bins = N_BINS
    quantile_list = jnp.linspace(0.0, 1.0, n_bins + 1)
    # torch.flatten(prediction, start_dim=1, end_dim=-2)
    pred = prediction.reshape(prediction.shape[0], -1, prediction.shape[-1])
    # torch.flatten(truth, start_dim=1).unsqueeze(0)
    tr = truth.reshape(truth.shape[0], -1)[None, :, :]
    # torch.quantile(prediction, quantile_list, dim=-1) -> (n_bins+1, batch, D)
    quantiles = jnp.quantile(pred, quantile_list, axis=-1)
    # (truth - quantiles > 0).sum(axis=0)
    quantile_membership = (tr - quantiles > 0).astype(jnp.int32).sum(axis=0)
    # histogram over membership values 0..n_bins+1
    counts = jnp.bincount(quantile_membership.reshape(-1), length=n_bins + 2)
    counts = counts.at[1].add(counts[0])
    counts = counts.at[-2].add(counts[-1])
    counts = counts[1:-1]
    return counts.astype(jnp.float32)

if __name__ == "__main__":
    import jax
    _d = setup_inputs()
    print(jax.jit(kernel)(*tuple(_d.values())))

</pallas_src>

<mosaic_0001>
#map = affine_map<(d0, d1) -> (0)>
#map1 = affine_map<(d0, d1) -> (0, 0)>
module attributes {stable_mosaic.version = 14 : i64} {
  func.func @_sc_bincount_body(%arg0: i32, %arg1: i32, %arg2: memref<131072xi32, #tpu.memory_space<hbm>>, %arg3: memref<32x16xi32, #tpu.memory_space<hbm>>, %arg4: memref<4096xi32, #tpu.memory_space<vmem>>, %arg5: memref<16xi32, #tpu.memory_space<vmem>>) attributes {dimension_semantics = [#tpu.dimension_semantics<core_parallel>, #tpu.dimension_semantics<subcore_parallel>], iteration_bounds = array<i64: 2, 16>, scalar_prefetch = 0 : i64, scratch_operands = 2 : i64, tpu.core_type = #tpu.core_type<sc_vector_subcore>, window_params = [{transform_indices = #map}, {transform_indices = #map1}]} {
    %mul3A = arith.constant 16 : i32
    %mul3A_0 = arith.muli %arg0, %mul3A : i32
    %add3A = arith.addi %mul3A_0, %arg1 : i32
    %mul3A_1 = arith.constant 4096 : i32
    %mul3A_2 = arith.muli %add3A, %mul3A_1 : i32
    "tpu.region"() ({
      %run_scoped3A = tpu.sem_alloc : memref<!tpu.dma_semaphore, #tpu.memory_space<semaphore_mem>>
      %dma_start3A = tpu.memref_slice %arg2[%mul3A_2] : memref<131072xi32, #tpu.memory_space<hbm>> -> memref<4096xi32, #tpu.memory_space<hbm>>
      %dma_start3A_251 = tpu.memref_slice %arg2[%mul3A_2] : memref<131072xi32, #tpu.memory_space<hbm>> -> memref<4096xi32, #tpu.memory_space<hbm>>
      tpu.enqueue_dma source(%dma_start3A_251 : memref<4096xi32, #tpu.memory_space<hbm>>) target(%arg4 : memref<4096xi32, #tpu.memory_space<vmem>>) target_semaphore(%run_scoped3A : memref<!tpu.dma_semaphore, #tpu.memory_space<semaphore_mem>>)
      %dma_wait3A = tpu.memref_slice %arg2[%mul3A_2] : memref<131072xi32, #tpu.memory_space<hbm>> -> memref<4096xi32, #tpu.memory_space<hbm>>
      %dma_wait3A_252 = tpu.memref_slice %arg2[%mul3A_2] : memref<131072xi32, #tpu.memory_space<hbm>> -> memref<4096xi32, #tpu.memory_space<hbm>>
      tpu.wait_dma2 semaphore(%run_scoped3A : memref<!tpu.dma_semaphore, #tpu.memory_space<semaphore_mem>>) src(%dma_wait3A_252 : memref<4096xi32, #tpu.memory_space<hbm>>) dst(%arg4 : memref<4096xi32, #tpu.memory_space<vmem>>)
      tpu.yield
    }) : () -> ()
    %broadcast_in_dim3A = arith.constant 1 : i32
    %broadcast_in_dim3A_3 = vector.broadcast %broadcast_in_dim3A : i32 to vector<16xi32>
    %broadcast_in_dim3A_4 = arith.constant 0 : i32
    %broadcast_in_dim3A_5 = vector.broadcast %broadcast_in_dim3A_4 : i32 to vector<16xi32>
    %broadcast_in_dim3A_6 = arith.constant 0 : i32
    %broadcast_in_dim3A_7 = vector.broadcast %broadcast_in_dim3A_6 : i32 to vector<16xi32>
    %broadcast_in_dim3A_8 = arith.constant 0 : i32
    %broadcast_in_dim3A_9 = vector.broadcast %broadcast_in_dim3A_8 : i32 to vector<16xi32>
    %broadcast_in_dim3A_10 = arith.constant 0 : i32
    %broadcast_in_dim3A_11 = vector.broadcast %broadcast_in_dim3A_10 : i32 to vector<16xi32>
    %broadcast_in_dim3A_12 = arith.constant 0 : i32
    %broadcast_in_dim3A_13 = vector.broadcast %broadcast_in_dim3A_12 : i32 to vector<16xi32>
    %broadcast_in_dim3A_14 = arith.constant 0 : i32
    %broadcast_in_dim3A_15 = vector.broadcast %broadcast_in_dim3A_14 : i32 to vector<16xi32>
    %broadcast_in_dim3A_16 = arith.constant 0 : i32
    %broadcast_in_dim3A_17 = vector.broadcast %broadcast_in_dim3A_16 : i32 to vector<16xi32>
    %broadcast_in_dim3A_18 = arith.constant 0 : i32
    %broadcast_in_dim3A_19 = vector.broadcast %broadcast_in_dim3A_18 : i32 to vector<16xi32>
    %broadcast_in_dim3A_20 = arith.constant 0 : i32
    %broadcast_in_dim3A_21 = vector.broadcast %broadcast_in_dim3A_20 : i32 to vector<16xi32>
    %broadcast_in_dim3A_22 = arith.constant 0 : i32
    %broadcast_in_dim3A_23 = vector.broadcast %broadcast_in_dim3A_22 : i32 to vector<16xi32>
    %broadcast_in_dim3A_24 = arith.constant 0 : i32
    %broadcast_in_dim3A_25 = vector.broadcast %broadcast_in_dim3A_24 : i32 to vector<16xi32>
    %scan3A = arith.constant 0 : i32
    %scan3A_26 = arith.constant 256 : i32
    %scan3A_27 = arith.addi %scan3A, %scan3A_26 : i32
    %scan3A_28 = arith.constant 1 : i32
    %scan3A_29:10 = scf.for %scan3A_251 = %scan3A to %scan3A_27 step %scan3A_28 iter_args(%scan3A_252 = %broadcast_in_dim3A_7, %scan3A_253 = %broadcast_in_dim3A_9, %scan3A_254 = %broadcast_in_dim3A_11, %scan3A_255 = %broadcast_in_dim3A_13, %scan3A_256 = %broadcast_in_dim3A_15, %scan3A_257 = %broadcast_in_dim3A_17, %scan3A_258 = %broadcast_in_dim3A_19, %scan3A_259 = %broadcast_in_dim3A_21, %scan3A_260 = %broadcast_in_dim3A_23, %scan3A_261 = %broadcast_in_dim3A_25) -> (vector<16xi32>, vector<16xi32>, vector<16xi32>, vector<16xi32>, vector<16xi32>, vector<16xi32>, vector<16xi32>, vector<16xi32>, vector<16xi32>, vector<16xi32>)  : i32 {
      %mul3A_262 = arith.constant 16 : i32
      %mul3A_263 = arith.muli %scan3A_251, %mul3A_262 : i32
      %get3A = arith.index_cast %mul3A_263 : i32 to index
      %get3A_264 = tpu.vector_load %arg4[%get3A] {strides = array<i32>} : memref<4096xi32, #tpu.memory_space<vmem>>, vector<16xi32>,
      %get3A_265 = vector.shape_cast %get3A_264 : vector<16xi32> to vector<16xi32>
      %broadcast_in_dim3A_266 = arith.constant 1 : i32
      %broadcast_in_dim3A_267 = vector.broadcast %broadcast_in_dim3A_266 : i32 to vector<16xi32>
      %ge3A = arith.cmpi sge, %get3A_265, %broadcast_in_dim3A_267 : vector<16xi32>
      %select_n3A_268 = arith.select %ge3A, %broadcast_in_dim3A_3, %broadcast_in_dim3A_5 : vector<16xi1>, vector<16xi32>
      %add3A_269 = arith.addi %scan3A_252, %select_n3A_268 : vector<16xi32>
      %broadcast_in_dim3A_270 = arith.constant 2 : i32
      %broadcast_in_dim3A_271 = vector.broadcast %broadcast_in_dim3A_270 : i32 to vector<16xi32>
      %ge3A_272 = arith.cmpi sge, %get3A_265, %broadcast_in_dim3A_271 : vector<16xi32>
      %select_n3A_273 = arith.select %ge3A_272, %broadcast_in_dim3A_3, %broadcast_in_dim3A_5 : vector<16xi1>, vector<16xi32>
      %add3A_274 = arith.addi %scan3A_253, %select_n3A_273 : vector<16xi32>
      %broadcast_in_dim3A_275 = arith.constant 3 : i32
      %broadcast_in_dim3A_276 = vector.broadcast %broadcast_in_dim3A_275 : i32 to vector<16xi32>
      %ge3A_277 = arith.cmpi sge, %get3A_265, %broadcast_in_dim3A_276 : vector<16xi32>
      %select_n3A_278 = arith.select %ge3A_277, %broadcast_in_dim3A_3, %broadcast_in_dim3A_5 : vector<16xi1>, vector<16xi32>
      %add3A_279 = arith.addi %scan3A_254, %select_n3A_278 : vector<16xi32>
      %broadcast_in_dim3A_280 = arith.constant 4 : i32
      %broadcast_in_dim3A_281 = vector.broadcast %broadcast_in_dim3A_280 : i32 to vector<16xi32>
      %ge3A_282 = arith.cmpi sge, %get3A_265, %broadcast_in_dim3A_281 : vector<16xi32>
      %select_n3A_283 = arith.select %ge3A_282, %broadcast_in_dim3A_3, %broadcast_in_dim3A_5 : vector<16xi1>, vector<16xi32>
      %add3A_284 = arith.addi %scan3A_255, %select_n3A_283 : vector<16xi32>
      %broadcast_in_dim3A_285 = arith.constant 5 : i32
      %broadcast_in_dim3A_286 = vector.broadcast %broadcast_in_dim3A_285 : i32 to vector<16xi32>
      %ge3A_287 = arith.cmpi sge, %get3A_265, %broadcast_in_dim3A_286 : vector<16xi32>
      %select_n3A_288 = arith.select %ge3A_287, %broadcast_in_dim3A_3, %broadcast_in_dim3A_5 : vector<16xi1>, vector<16xi32>
      %add3A_289 = arith.addi %scan3A_256, %select_n3A_288 : vector<16xi32>
      %broadcast_in_dim3A_290 = arith.constant 6 : i32
      %broadcast_in_dim3A_291 = vector.broadcast %broadcast_in_dim3A_290 : i32 to vector<16xi32>
      %ge3A_292 = arith.cmpi sge, %get3A_265, %broadcast_in_dim3A_291 : vector<16xi32>
      %select_n3A_293 = arith.select %ge3A_292, %broadcast_in_dim3A_3, %broadcast_in_dim3A_5 : vector<16xi1>, vector<16xi32>
      %add3A_294 = arith.addi %scan3A_257, %select_n3A_293 : vector<16xi32>
      %broadcast_in_dim3A_295 = arith.constant 7 : i32
      %broadcast_in_dim3A_296 = vector.broadcast %broadcast_in_dim3A_295 : i32 to vector<16xi32>
      %ge3A_297 = arith.cmpi sge, %get3A_265, %broadcast_in_dim3A_296 : vector<16xi32>
      %select_n3A_298 = arith.select %ge3A_297, %broadcast_in_dim3A_3, %broadcast_in_dim3A_5 : vector<16xi1>, vector<16xi32>
      %add3A_299 = arith.addi %scan3A_258, %select_n3A_298 : vector<16xi32>
      %broadcast_in_dim3A_300 = arith.constant 8 : i32
      %broadcast_in_dim3A_301 = vector.broadcast %broadcast_in_dim3A_300 : i32 to vector<16xi32>
      %ge3A_302 = arith.cmpi sge, %get3A_265, %broadcast_in_dim3A_301 : vector<16xi32>
      %select_n3A_303 = arith.select %ge3A_302, %broadcast_in_dim3A_3, %broadcast_in_dim3A_5 : vector<16xi1>, vector<16xi32>
      %add3A_304 = arith.addi %scan3A_259, %select_n3A_303 : vector<16xi32>
      %broadcast_in_dim3A_305 = arith.constant 9 : i32
      %broadcast_in_dim3A_306 = vector.broadcast %broadcast_in_dim3A_305 : i32 to vector<16xi32>
      %ge3A_307 = arith.cmpi sge, %get3A_265, %broadcast_in_dim3A_306 : vector<16xi32>
      %select_n3A_308 = arith.select %ge3A_307, %broadcast_in_dim3A_3, %broadcast_in_dim3A_5 : vector<16xi1>, vector<16xi32>
      %add3A_309 = arith.addi %scan3A_260, %select_n3A_308 : vector<16xi32>
      %broadcast_in_dim3A_310 = arith.constant 10 : i32
      %broadcast_in_dim3A_311 = vector.broadcast %broadcast_in_dim3A_310 : i32 to vector<16xi32>
      %ge3A_312 = arith.cmpi sge, %get3A_265, %broadcast_in_dim3A_311 : vector<16xi32>
      %select_n3A_313 = arith.select %ge3A_312, %broadcast_in_dim3A_3, %broadcast_in_dim3A_5 : vector<16xi1>, vector<16xi32>
      %add3A_314 = arith.addi %scan3A_261, %select_n3A_313 : vector<16xi32>
      scf.yield %add3A_269, %add3A_274, %add3A_279, %add3A_284, %add3A_289, %add3A_294, %add3A_299, %add3A_304, %add3A_309, %add3A_314 : vector<16xi32>, vector<16xi32>, vector<16xi32>, vector<16xi32>, vector<16xi32>, vector<16xi32>, vector<16xi32>, vector<16xi32>, vector<16xi32>, vector<16xi32>
    }
    %scan3A_30 = arith.constant 256 : i32
    %iota3A = tpu.iota {dimensions = array<i32: 0>} : vector<16xi32>
    %broadcast_in_dim3A_31 = arith.constant 1 : i32
    %broadcast_in_dim3A_32 = vector.broadcast %broadcast_in_dim3A_31 : i32 to vector<16xi32>
    %xor3A = arith.xori %iota3A, %broadcast_in_dim3A_32 : vector<16xi32>
    %broadcast_in_dim3A_33 = arith.constant 2 : i32
    %broadcast_in_dim3A_34 = vector.broadcast %broadcast_in_dim3A_33 : i32 to vector<16xi32>
    %xor3A_35 = arith.xori %iota3A, %broadcast_in_dim3A_34 : vector<16xi32>
    %broadcast_in_dim3A_36 = arith.constant 4 : i32
    %broadcast_in_dim3A_37 = vector.broadcast %broadcast_in_dim3A_36 : i32 to vector<16xi32>
    %xor3A_38 = arith.xori %iota3A, %broadcast_in_dim3A_37 : vector<16xi32>
    %broadcast_in_dim3A_39 = arith.constant 8 : i32
    %broadcast_in_dim3A_40 = vector.broadcast %broadcast_in_dim3A_39 : i32 to vector<16xi32>
    %xor3A_41 = arith.xori %iota3A, %broadcast_in_dim3A_40 : vector<16xi32>
    %broadcast_in_dim3A_42 = vector.shape_cast %xor3A : vector<16xi32> to vector<16x1xi32>
    %gather3A = vector.shape_cast %broadcast_in_dim3A_42 : vector<16x1xi32> to vector<16xi32>
    %gather3A_43 = tpu.dynamic_gather %scan3A_29#0[%gather3A] in [0] : vector<16xi32>, vector<16xi32> -> vector<16xi32>
    %add3A_44 = arith.addi %scan3A_29#0, %gather3A_43 : vector<16xi32>
    %broadcast_in_dim3A_45 = vector.shape_cast %xor3A_35 : vector<16xi32> to vector<16x1xi32>
    %gather3A_46 = vector.shape_cast %broadcast_in_dim3A_45 : vector<16x1xi32> to vector<16xi32>
    %gather3A_47 = tpu.dynamic_gather %add3A_44[%gather3A_46] in [0] : vector<16xi32>, vector<16xi32> -> vector<16xi32>
    %add3A_48 = arith.addi %add3A_44, %gather3A_47 : vector<16xi32>
    %broadcast_in_dim3A_49 = vector.shape_cast %xor3A_38 : vector<16xi32> to vector<16x1xi32>
    %gather3A_50 = vector.shape_cast %broadcast_in_dim3A_49 : vector<16x1xi32> to vector<16xi32>
    %gather3A_51 = tpu.dynamic_gather %add3A_48[%gather3A_50] in [0] : vector<16xi32>, vector<16xi32> -> vector<16xi32>
    %add3A_52 = arith.addi %add3A_48, %gather3A_51 : vector<16xi32>
    %broadcast_in_dim3A_53 = vector.shape_cast %xor3A_41 : vector<16xi32> to vector<16x1xi32>
    %gather3A_54 = vector.shape_cast %broadcast_in_dim3A_53 : vector<16x1xi32> to vector<16xi32>
    %gather3A_55 = tpu.dynamic_gather %add3A_52[%gather3A_54] in [0] : vector<16xi32>, vector<16xi32> -> vector<16xi32>
    %add3A_56 = arith.addi %add3A_52, %gather3A_55 : vector<16xi32>
    %broadcast_in_dim3A_57 = vector.shape_cast %xor3A : vector<16xi32> to vector<16x1xi32>
    %gather3A_58 = vector.shape_cast %broadcast_in_dim3A_57 : vector<16x1xi32> to vector<16xi32>
    %gather3A_59 = tpu.dynamic_gather %scan3A_29#1[%gather3A_58] in [0] : vector<16xi32>, vector<16xi32> -> vector<16xi32>
    %add3A_60 = arith.addi %scan3A_29#1, %gather3A_59 : vector<16xi32>
    %broadcast_in_dim3A_61 = vector.shape_cast %xor3A_35 : vector<16xi32> to vector<16x1xi32>
    %gather3A_62 = vector.shape_cast %broadcast_in_dim3A_61 : vector<16x1xi32> to vector<16xi32>
    %gather3A_63 = tpu.dynamic_gather %add3A_60[%gather3A_62] in [0] : vector<16xi32>, vector<16xi32> -> vector<16xi32>
    %add3A_64 = arith.addi %add3A_60, %gather3A_63 : vector<16xi32>
    %broadcast_in_dim3A_65 = vector.shape_cast %xor3A_38 : vector<16xi32> to vector<16x1xi32>
    %gather3A_66 = vector.shape_cast %broadcast_in_dim3A_65 : vector<16x1xi32> to vector<16xi32>
    %gather3A_67 = tpu.dynamic_gather %add3A_64[%gather3A_66] in [0] : vector<16xi32>, vector<16xi32> -> vector<16xi32>
    %add3A_68 = arith.addi %add3A_64, %gather3A_67 : vector<16xi32>
    %broadcast_in_dim3A_69 = vector.shape_cast %xor3A_41 : vector<16xi32> to vector<16x1xi32>
    %gather3A_70 = vector.shape_cast %broadcast_in_dim3A_69 : vector<16x1xi32> to vector<16xi32>
    %gather3A_71 = tpu.dynamic_gather %add3A_68[%gather3A_70] in [0] : vector<16xi32>, vector<16xi32> -> vector<16xi32>
    %add3A_72 = arith.addi %add3A_68, %gather3A_71 : vector<16xi32>
    %broadcast_in_dim3A_73 = vector.shape_cast %xor3A : vector<16xi32> to vector<16x1xi32>
    %gather3A_74 = vector.shape_cast %broadcast_in_dim3A_73 : vector<16x1xi32> to vector<16xi32>
    %gather3A_75 = tpu.dynamic_gather %scan3A_29#2[%gather3A_74] in [0] : vector<16xi32>, vector<16xi32> -> vector<16xi32>
    %add3A_76 = arith.addi %scan3A_29#2, %gather3A_75 : vector<16xi32>
    %broadcast_in_dim3A_77 = vector.shape_cast %xor3A_35 : vector<16xi32> to vector<16x1xi32>
    %gather3A_78 = vector.shape_cast %broadcast_in_dim3A_77 : vector<16x1xi32> to vector<16xi32>
    %gather3A_79 = tpu.dynamic_gather %add3A_76[%gather3A_78] in [0] : vector<16xi32>, vector<16xi32> -> vector<16xi32>
    %add3A_80 = arith.addi %add3A_76, %gather3A_79 : vector<16xi32>
    %broadcast_in_dim3A_81 = vector.shape_cast %xor3A_38 : vector<16xi32> to vector<16x1xi32>
    %gather3A_82 = vector.shape_cast %broadcast_in_dim3A_81 : vector<16x1xi32> to vector<16xi32>
    %gather3A_83 = tpu.dynamic_gather %add3A_80[%gather3A_82] in [0] : vector<16xi32>, vector<16xi32> -> vector<16xi32>
    %add3A_84 = arith.addi %add3A_80, %gather3A_83 : vector<16xi32>
    %broadcast_in_dim3A_85 = vector.shape_cast %xor3A_41 : vector<16xi32> to vector<16x1xi32>
    %gather3A_86 = vector.shape_cast %broadcast_in_dim3A_85 : vector<16x1xi32> to vector<16xi32>
    %gather3A_87 = tpu.dynamic_gather %add3A_84[%gather3A_86] in [0] : vector<16xi32>, vector<16xi32> -> vector<16xi32>
    %add3A_88 = arith.addi %add3A_84, %gather3A_87 : vector<16xi32>
    %broadcast_in_dim3A_89 = vector.shape_cast %xor3A : vector<16xi32> to vector<16x1xi32>
    %gather3A_90 = vector.shape_cast %broadcast_in_dim3A_89 : vector<16x1xi32> to vector<16xi32>
    %gather3A_91 = tpu.dynamic_gather %scan3A_29#3[%gather3A_90] in [0] : vector<16xi32>, vector<16xi32> -> vector<16xi32>
    %add3A_92 = arith.addi %scan3A_29#3, %gather3A_91 : vector<16xi32>
    %broadcast_in_dim3A_93 = vector.shape_cast %xor3A_35 : vector<16xi32> to vector<16x1xi32>
    %gather3A_94 = vector.shape_cast %broadcast_in_dim3A_93 : vector<16x1xi32> to vector<16xi32>
    %gather3A_95 = tpu.dynamic_gather %add3A_92[%gather3A_94] in [0] : vector<16xi32>, vector<16xi32> -> vector<16xi32>
    %add3A_96 = arith.addi %add3A_92, %gather3A_95 : vector<16xi32>
    %broadcast_in_dim3A_97 = vector.shape_cast %xor3A_38 : vector<16xi32> to vector<16x1xi32>
    %gather3A_98 = vector.shape_cast %broadcast_in_dim3A_97 : vector<16x1xi32> to vector<16xi32>
    %gather3A_99 = tpu.dynamic_gather %add3A_96[%gather3A_98] in [0] : vector<16xi32>, vector<16xi32> -> vector<16xi32>
    %add3A_100 = arith.addi %add3A_96, %gather3A_99 : vector<16xi32>
    %broadcast_in_dim3A_101 = vector.shape_cast %xor3A_41 : vector<16xi32> to vector<16x1xi32>
    %gather3A_102 = vector.shape_cast %broadcast_in_dim3A_101 : vector<16x1xi32> to vector<16xi32>
    %gather3A_103 = tpu.dynamic_gather %add3A_100[%gather3A_102] in [0] : vector<16xi32>, vector<16xi32> -> vector<16xi32>
    %add3A_104 = arith.addi %add3A_100, %gather3A_103 : vector<16xi32>
    %broadcast_in_dim3A_105 = vector.shape_cast %xor3A : vector<16xi32> to vector<16x1xi32>
    %gather3A_106 = vector.shape_cast %broadcast_in_dim3A_105 : vector<16x1xi32> to vector<16xi32>
    %gather3A_107 = tpu.dynamic_gather %scan3A_29#4[%gather3A_106] in [0] : vector<16xi32>, vector<16xi32> -> vector<16xi32>
    %add3A_108 = arith.addi %scan3A_29#4, %gather3A_107 : vector<16xi32>
    %broadcast_in_dim3A_109 = vector.shape_cast %xor3A_35 : vector<16xi32> to vector<16x1xi32>
    %gather3A_110 = vector.shape_cast %broadcast_in_dim3A_109 : vector<16x1xi32> to vector<16xi32>
    %gather3A_111 = tpu.dynamic_gather %add3A_108[%gather3A_110] in [0] : vector<16xi32>, vector<16xi32> -> vector<16xi32>
    %add3A_112 = arith.addi %add3A_108, %gather3A_111 : vector<16xi32>
    %broadcast_in_dim3A_113 = vector.shape_cast %xor3A_38 : vector<16xi32> to vector<16x1xi32>
    %gather3A_114 = vector.shape_cast %broadcast_in_dim3A_113 : vector<16x1xi32> to vector<16xi32>
    %gather3A_115 = tpu.dynamic_gather %add3A_112[%gather3A_114] in [0] : vector<16xi32>, vector<16xi32> -> vector<16xi32>
    %add3A_116 = arith.addi %add3A_112, %gather3A_115 : vector<16xi32>
    %broadcast_in_dim3A_117 = vector.shape_cast %xor3A_41 : vector<16xi32> to vector<16x1xi32>
    %gather3A_118 = vector.shape_cast %broadcast_in_dim3A_117 : vector<16x1xi32> to vector<16xi32>
    %gather3A_119 = tpu.dynamic_gather %add3A_116[%gather3A_118] in [0] : vector<16xi32>, vector<16xi32> -> vector<16xi32>
    %add3A_120 = arith.addi %add3A_116, %gather3A_119 : vector<16xi32>
    %broadcast_in_dim3A_121 = vector.shape_cast %xor3A : vector<16xi32> to vector<16x1xi32>
    %gather3A_122 = vector.shape_cast %broadcast_in_dim3A_121 : vector<16x1xi32> to vector<16xi32>
    %gather3A_123 = tpu.dynamic_gather %scan3A_29#5[%gather3A_122] in [0] : vector<16xi32>, vector<16xi32> -> vector<16xi32>
    %add3A_124 = arith.addi %scan3A_29#5, %gather3A_123 : vector<16xi32>
    %broadcast_in_dim3A_125 = vector.shape_cast %xor3A_35 : vector<16xi32> to vector<16x1xi32>
    %gather3A_126 = vector.shape_cast %broadcast_in_dim3A_125 : vector<16x1xi32> to vector<16xi32>
    %gather3A_127 = tpu.dynamic_gather %add3A_124[%gather3A_126] in [0] : vector<16xi32>, vector<16xi32> -> vector<16xi32>
    %add3A_128 = arith.addi %add3A_124, %gather3A_127 : vector<16xi32>
    %broadcast_in_dim3A_129 = vector.shape_cast %xor3A_38 : vector<16xi32> to vector<16x1xi32>
    %gather3A_130 = vector.shape_cast %broadcast_in_dim3A_129 : vector<16x1xi32> to vector<16xi32>
    %gather3A_131 = tpu.dynamic_gather %add3A_128[%gather3A_130] in [0] : vector<16xi32>, vector<16xi32> -> vector<16xi32>
    %add3A_132 = arith.addi %add3A_128, %gather3A_131 : vector<16xi32>
    %broadcast_in_dim3A_133 = vector.shape_cast %xor3A_41 : vector<16xi32> to vector<16x1xi32>
    %gather3A_134 = vector.shape_cast %broadcast_in_dim3A_133 : vector<16x1xi32> to vector<16xi32>
    %gather3A_135 = tpu.dynamic_gather %add3A_132[%gather3A_134] in [0] : vector<16xi32>, vector<16xi32> -> vector<16xi32>
    %add3A_136 = arith.addi %add3A_132, %gather3A_135 : vector<16xi32>
    %broadcast_in_dim3A_137 = vector.shape_cast %xor3A : vector<16xi32> to vector<16x1xi32>
    %gather3A_138 = vector.shape_cast %broadcast_in_dim3A_137 : vector<16x1xi32> to vector<16xi32>
    %gather3A_139 = tpu.dynamic_gather %scan3A_29#6[%gather3A_138] in [0] : vector<16xi32>, vector<16xi32> -> vector<16xi32>
    %add3A_140 = arith.addi %scan3A_29#6, %gather3A_139 : vector<16xi32>
    %broadcast_in_dim3A_141 = vector.shape_cast %xor3A_35 : vector<16xi32> to vector<16x1xi32>
    %gather3A_142 = vector.shape_cast %broadcast_in_dim3A_141 : vector<16x1xi32> to vector<16xi32>
    %gather3A_143 = tpu.dynamic_gather %add3A_140[%gather3A_142] in [0] : vector<16xi32>, vector<16xi32> -> vector<16xi32>
    %add3A_144 = arith.addi %add3A_140, %gather3A_143 : vector<16xi32>
    %broadcast_in_dim3A_145 = vector.shape_cast %xor3A_38 : vector<16xi32> to vector<16x1xi32>
    %gather3A_146 = vector.shape_cast %broadcast_in_dim3A_145 : vector<16x1xi32> to vector<16xi32>
    %gather3A_147 = tpu.dynamic_gather %add3A_144[%gather3A_146] in [0] : vector<16xi32>, vector<16xi32> -> vector<16xi32>
    %add3A_148 = arith.addi %add3A_144, %gather3A_147 : vector<16xi32>
    %broadcast_in_dim3A_149 = vector.shape_cast %xor3A_41 : vector<16xi32> to vector<16x1xi32>
    %gather3A_150 = vector.shape_cast %broadcast_in_dim3A_149 : vector<16x1xi32> to vector<16xi32>
    %gather3A_151 = tpu.dynamic_gather %add3A_148[%gather3A_150] in [0] : vector<16xi32>, vector<16xi32> -> vector<16xi32>
    %add3A_152 = arith.addi %add3A_148, %gather3A_151 : vector<16xi32>
    %broadcast_in_dim3A_153 = vector.shape_cast %xor3A : vector<16xi32> to vector<16x1xi32>
    %gather3A_154 = vector.shape_cast %broadcast_in_dim3A_153 : vector<16x1xi32> to vector<16xi32>
    %gather3A_155 = tpu.dynamic_gather %scan3A_29#7[%gather3A_154] in [0] : vector<16xi32>, vector<16xi32> -> vector<16xi32>
    %add3A_156 = arith.addi %scan3A_29#7, %gather3A_155 : vector<16xi32>
    %broadcast_in_dim3A_157 = vector.shape_cast %xor3A_35 : vector<16xi32> to vector<16x1xi32>
    %gather3A_158 = vector.shape_cast %broadcast_in_dim3A_157 : vector<16x1xi32> to vector<16xi32>
    %gather3A_159 = tpu.dynamic_gather %add3A_156[%gather3A_158] in [0] : vector<16xi32>, vector<16xi32> -> vector<16xi32>
    %add3A_160 = arith.addi %add3A_156, %gather3A_159 : vector<16xi32>
    %broadcast_in_dim3A_161 = vector.shape_cast %xor3A_38 : vector<16xi32> to vector<16x1xi32>
    %gather3A_162 = vector.shape_cast %broadcast_in_dim3A_161 : vector<16x1xi32> to vector<16xi32>
    %gather3A_163 = tpu.dynamic_gather %add3A_160[%gather3A_162] in [0] : vector<16xi32>, vector<16xi32> -> vector<16xi32>
    %add3A_164 = arith.addi %add3A_160, %gather3A_163 : vector<16xi32>
    %broadcast_in_dim3A_165 = vector.shape_cast %xor3A_41 : vector<16xi32> to vector<16x1xi32>
    %gather3A_166 = vector.shape_cast %broadcast_in_dim3A_165 : vector<16x1xi32> to vector<16xi32>
    %gather3A_167 = tpu.dynamic_gather %add3A_164[%gather3A_166] in [0] : vector<16xi32>, vector<16xi32> -> vector<16xi32>
    %add3A_168 = arith.addi %add3A_164, %gather3A_167 : vector<16xi32>
    %broadcast_in_dim3A_169 = vector.shape_cast %xor3A : vector<16xi32> to vector<16x1xi32>
    %gather3A_170 = vector.shape_cast %broadcast_in_dim3A_169 : vector<16x1xi32> to vector<16xi32>
    %gather3A_171 = tpu.dynamic_gather %scan3A_29#8[%gather3A_170] in [0] : vector<16xi32>, vector<16xi32> -> vector<16xi32>
    %add3A_172 = arith.addi %scan3A_29#8, %gather3A_171 : vector<16xi32>
    %broadcast_in_dim3A_173 = vector.shape_cast %xor3A_35 : vector<16xi32> to vector<16x1xi32>
    %gather3A_174 = vector.shape_cast %broadcast_in_dim3A_173 : vector<16x1xi32> to vector<16xi32>
    %gather3A_175 = tpu.dynamic_gather %add3A_172[%gather3A_174] in [0] : vector<16xi32>, vector<16xi32> -> vector<16xi32>
    %add3A_176 = arith.addi %add3A_172, %gather3A_175 : vector<16xi32>
    %broadcast_in_dim3A_177 = vector.shape_cast %xor3A_38 : vector<16xi32> to vector<16x1xi32>
    %gather3A_178 = vector.shape_cast %broadcast_in_dim3A_177 : vector<16x1xi32> to vector<16xi32>
    %gather3A_179 = tpu.dynamic_gather %add3A_176[%gather3A_178] in [0] : vector<16xi32>, vector<16xi32> -> vector<16xi32>
    %add3A_180 = arith.addi %add3A_176, %gather3A_179 : vector<16xi32>
    %broadcast_in_dim3A_181 = vector.shape_cast %xor3A_41 : vector<16xi32> to vector<16x1xi32>
    %gather3A_182 = vector.shape_cast %broadcast_in_dim3A_181 : vector<16x1xi32> to vector<16xi32>
    %gather3A_183 = tpu.dynamic_gather %add3A_180[%gather3A_182] in [0] : vector<16xi32>, vector<16xi32> -> vector<16xi32>
    %add3A_184 = arith.addi %add3A_180, %gather3A_183 : vector<16xi32>
    %broadcast_in_dim3A_185 = vector.shape_cast %xor3A : vector<16xi32> to vector<16x1xi32>
    %gather3A_186 = vector.shape_cast %broadcast_in_dim3A_185 : vector<16x1xi32> to vector<16xi32>
    %gather3A_187 = tpu.dynamic_gather %scan3A_29#9[%gather3A_186] in [0] : vector<16xi32>, vector<16xi32> -> vector<16xi32>
    %add3A_188 = arith.addi %scan3A_29#9, %gather3A_187 : vector<16xi32>
    %broadcast_in_dim3A_189 = vector.shape_cast %xor3A_35 : vector<16xi32> to vector<16x1xi32>
    %gather3A_190 = vector.shape_cast %broadcast_in_dim3A_189 : vector<16x1xi32> to vector<16xi32>
    %gather3A_191 = tpu.dynamic_gather %add3A_188[%gather3A_190] in [0] : vector<16xi32>, vector<16xi32> -> vector<16xi32>
    %add3A_192 = arith.addi %add3A_188, %gather3A_191 : vector<16xi32>
    %broadcast_in_dim3A_193 = vector.shape_cast %xor3A_38 : vector<16xi32> to vector<16x1xi32>
    %gather3A_194 = vector.shape_cast %broadcast_in_dim3A_193 : vector<16x1xi32> to vector<16xi32>
    %gather3A_195 = tpu.dynamic_gather %add3A_192[%gather3A_194] in [0] : vector<16xi32>, vector<16xi32> -> vector<16xi32>
    %add3A_196 = arith.addi %add3A_192, %gather3A_195 : vector<16xi32>
    %broadcast_in_dim3A_197 = vector.shape_cast %xor3A_41 : vector<16xi32> to vector<16x1xi32>
    %gather3A_198 = vector.shape_cast %broadcast_in_dim3A_197 : vector<16x1xi32> to vector<16xi32>
    %gather3A_199 = tpu.dynamic_gather %add3A_196[%gather3A_198] in [0] : vector<16xi32>, vector<16xi32> -> vector<16xi32>
    %add3A_200 = arith.addi %add3A_196, %gather3A_199 : vector<16xi32>
    %broadcast_in_dim3A_201 = arith.constant 0 : i32
    %broadcast_in_dim3A_202 = vector.broadcast %broadcast_in_dim3A_201 : i32 to vector<16xi32>
    %eq3A = arith.cmpi eq, %iota3A, %broadcast_in_dim3A_202 : vector<16xi32>
    %sub3A = arith.subi %add3A_56, %add3A_72 : vector<16xi32>
    %select_n3A = arith.select %eq3A, %sub3A, %broadcast_in_dim3A_5 : vector<16xi1>, vector<16xi32>
    %broadcast_in_dim3A_203 = arith.constant 1 : i32
    %broadcast_in_dim3A_204 = vector.broadcast %broadcast_in_dim3A_203 : i32 to vector<16xi32>
    %eq3A_205 = arith.cmpi eq, %iota3A, %broadcast_in_dim3A_204 : vector<16xi32>
    %sub3A_206 = arith.subi %add3A_72, %add3A_88 : vector<16xi32>
    %select_n3A_207 = arith.select %eq3A_205, %sub3A_206, %select_n3A : vector<16xi1>, vector<16xi32>
    %broadcast_in_dim3A_208 = arith.constant 2 : i32
    %broadcast_in_dim3A_209 = vector.broadcast %broadcast_in_dim3A_208 : i32 to vector<16xi32>
    %eq3A_210 = arith.cmpi eq, %iota3A, %broadcast_in_dim3A_209 : vector<16xi32>
    %sub3A_211 = arith.subi %add3A_88, %add3A_104 : vector<16xi32>
    %select_n3A_212 = arith.select %eq3A_210, %sub3A_211, %select_n3A_207 : vector<16xi1>, vector<16xi32>
    %broadcast_in_dim3A_213 = arith.constant 3 : i32
    %broadcast_in_dim3A_214 = vector.broadcast %broadcast_in_dim3A_213 : i32 to vector<16xi32>
    %eq3A_215 = arith.cmpi eq, %iota3A, %broadcast_in_dim3A_214 : vector<16xi32>
    %sub3A_216 = arith.subi %add3A_104, %add3A_120 : vector<16xi32>
    %select_n3A_217 = arith.select %eq3A_215, %sub3A_216, %select_n3A_212 : vector<16xi1>, vector<16xi32>
    %broadcast_in_dim3A_218 = arith.constant 4 : i32
    %broadcast_in_dim3A_219 = vector.broadcast %broadcast_in_dim3A_218 : i32 to vector<16xi32>
    %eq3A_220 = arith.cmpi eq, %iota3A, %broadcast_in_dim3A_219 : vector<16xi32>
    %sub3A_221 = arith.subi %add3A_120, %add3A_136 : vector<16xi32>
    %select_n3A_222 = arith.select %eq3A_220, %sub3A_221, %select_n3A_217 : vector<16xi1>, vector<16xi32>
    %broadcast_in_dim3A_223 = arith.constant 5 : i32
    %broadcast_in_dim3A_224 = vector.broadcast %broadcast_in_dim3A_223 : i32 to vector<16xi32>
    %eq3A_225 = arith.cmpi eq, %iota3A, %broadcast_in_dim3A_224 : vector<16xi32>
    %sub3A_226 = arith.subi %add3A_136, %add3A_152 : vector<16xi32>
    %select_n3A_227 = arith.select %eq3A_225, %sub3A_226, %select_n3A_222 : vector<16xi1>, vector<16xi32>
    %broadcast_in_dim3A_228 = arith.constant 6 : i32
    %broadcast_in_dim3A_229 = vector.broadcast %broadcast_in_dim3A_228 : i32 to vector<16xi32>
    %eq3A_230 = arith.cmpi eq, %iota3A, %broadcast_in_dim3A_229 : vector<16xi32>
    %sub3A_231 = arith.subi %add3A_152, %add3A_168 : vector<16xi32>
    %select_n3A_232 = arith.select %eq3A_230, %sub3A_231, %select_n3A_227 : vector<16xi1>, vector<16xi32>
    %broadcast_in_dim3A_233 = arith.constant 7 : i32
    %broadcast_in_dim3A_234 = vector.broadcast %broadcast_in_dim3A_233 : i32 to vector<16xi32>
    %eq3A_235 = arith.cmpi eq, %iota3A, %broadcast_in_dim3A_234 : vector<16xi32>
    %sub3A_236 = arith.subi %add3A_168, %add3A_184 : vector<16xi32>
    %select_n3A_237 = arith.select %eq3A_235, %sub3A_236, %select_n3A_232 : vector<16xi1>, vector<16xi32>
    %broadcast_in_dim3A_238 = arith.constant 8 : i32
    %broadcast_in_dim3A_239 = vector.broadcast %broadcast_in_dim3A_238 : i32 to vector<16xi32>
    %eq3A_240 = arith.cmpi eq, %iota3A, %broadcast_in_dim3A_239 : vector<16xi32>
    %sub3A_241 = arith.subi %add3A_184, %add3A_200 : vector<16xi32>
    %select_n3A_242 = arith.select %eq3A_240, %sub3A_241, %select_n3A_237 : vector<16xi1>, vector<16xi32>
    %broadcast_in_dim3A_243 = arith.constant 9 : i32
    %broadcast_in_dim3A_244 = vector.broadcast %broadcast_in_dim3A_243 : i32 to vector<16xi32>
    %eq3A_245 = arith.cmpi eq, %iota3A, %broadcast_in_dim3A_244 : vector<16xi32>
    %sub3A_246 = arith.subi %add3A_200, %broadcast_in_dim3A_5 : vector<16xi32>
    %select_n3A_247 = arith.select %eq3A_245, %sub3A_246, %select_n3A_242 : vector<16xi1>, vector<16xi32>
    %swap3A = arith.constant 0 : index
    %swap3A_248 = tpu.vector_load %arg5[%swap3A] {strides = array<i32>} : memref<16xi32, #tpu.memory_space<vmem>>, vector<16xi32>,
    %swap3A_249 = vector.shape_cast %swap3A_248 : vector<16xi32> to vector<16xi32>
    %swap3A_250 = vector.shape_cast %select_n3A_247 : vector<16xi32> to vector<16xi32>
    tpu.vector_store %arg5[%swap3A], %swap3A_250 {strides = array<i32>} : memref<16xi32, #tpu.memory_space<vmem>>, vector<16xi32>,
    "tpu.region"() ({
      %run_scoped3A = tpu.sem_alloc : memref<!tpu.dma_semaphore, #tpu.memory_space<semaphore_mem>>
      %dma_start3A = arith.constant 0 : i32
      %dma_start3A_251 = tpu.memref_slice %arg3[%add3A, %dma_start3A] : memref<32x16xi32, #tpu.memory_space<hbm>> -> memref<1x16xi32, #tpu.memory_space<hbm>>
      %dma_start3A_252 = tpu.memref_squeeze %dma_start3A_251 : memref<1x16xi32, #tpu.memory_space<hbm>> -> memref<16xi32, #tpu.memory_space<hbm>>
      %dma_start3A_253 = arith.constant 0 : i32
      %dma_start3A_254 = tpu.memref_slice %arg3[%add3A, %dma_start3A_253] : memref<32x16xi32, #tpu.memory_space<hbm>> -> memref<1x16xi32, #tpu.memory_space<hbm>>
      %dma_start3A_255 = tpu.memref_squeeze %dma_start3A_254 : memref<1x16xi32, #tpu.memory_space<hbm>> -> memref<16xi32, #tpu.memory_space<hbm>>
      tpu.enqueue_dma source(%arg5 : memref<16xi32, #tpu.memory_space<vmem>>) target(%dma_start3A_255 : memref<16xi32, #tpu.memory_space<hbm>>) target_semaphore(%run_scoped3A : memref<!tpu.dma_semaphore, #tpu.memory_space<semaphore_mem>>)
      %dma_wait3A = arith.constant 0 : i32
      %dma_wait3A_256 = tpu.memref_slice %arg3[%add3A, %dma_wait3A] : memref<32x16xi32, #tpu.memory_space<hbm>> -> memref<1x16xi32, #tpu.memory_space<hbm>>
      %dma_wait3A_257 = tpu.memref_squeeze %dma_wait3A_256 : memref<1x16xi32, #tpu.memory_space<hbm>> -> memref<16xi32, #tpu.memory_space<hbm>>
      %dma_wait3A_258 = arith.constant 0 : i32
      %dma_wait3A_259 = tpu.memref_slice %arg3[%add3A, %dma_wait3A_258] : memref<32x16xi32, #tpu.memory_space<hbm>> -> memref<1x16xi32, #tpu.memory_space<hbm>>
      %dma_wait3A_260 = tpu.memref_squeeze %dma_wait3A_259 : memref<1x16xi32, #tpu.memory_space<hbm>> -> memref<16xi32, #tpu.memory_space<hbm>>
      tpu.wait_dma2 semaphore(%run_scoped3A : memref<!tpu.dma_semaphore, #tpu.memory_space<semaphore_mem>>) src(%arg5 : memref<16xi32, #tpu.memory_space<vmem>>) dst(%dma_wait3A_260 : memref<16xi32, #tpu.memory_space<hbm>>)
      tpu.yield
    }) : () -> ()
    return
  }
}

module attributes {stable_mosaic.version = 14 : i64} {
  func.func @_membership_body(%arg0: i32, %arg1: memref<1x16xf32, #tpu.memory_space<smem>>, %arg2: memref<32x256x100xf32, #tpu.memory_space<vmem>>, %arg3: memref<32x256xf32, #tpu.memory_space<vmem>>, %arg4: memref<32x256xi32, #tpu.memory_space<vmem>>, %arg5: memref<32x256xf32, #tpu.memory_space<vmem>>, %arg6: memref<32x256xf32, #tpu.memory_space<vmem>>, %arg7: memref<32x256xf32, #tpu.memory_space<vmem>>) attributes {dimension_semantics = [#tpu.dimension_semantics<arbitrary>], iteration_bounds = array<i64: 16>, scalar_prefetch = 0 : i64, scratch_operands = 3 : i64, tpu.core_type = #tpu.core_type<tc>, window_params = [{transform_indices = @transform_0, window_bounds = array<i64: 1, 16>}, {transform_indices = @transform_1, window_bounds = array<i64: 32, 256, 100>}, {transform_indices = @transform_2, window_bounds = array<i64: 32, 256>}, {transform_indices = @transform_3, window_bounds = array<i64: 32, 256>}]} {
    %get3A = arith.constant 0 : index
    %get3A_0 = arith.constant 0 : index
    %get3A_1 = arith.constant 0 : index
    %get3A_2 = vector.load %arg2[%get3A, %get3A_0, %get3A_1] : memref<32x256x100xf32, #tpu.memory_space<vmem>>, vector<32x256x100xf32>
    %get3A_3 = arith.constant 0 : index
    %get3A_4 = arith.constant 0 : index
    %get3A_5 = vector.load %arg3[%get3A_3, %get3A_4] : memref<32x256xf32, #tpu.memory_space<vmem>>, vector<32x256xf32>
    %broadcast_in_dim3A = vector.shape_cast %get3A_5 : vector<32x256xf32> to vector<32x256x1xf32>
    %lt3A = vector.broadcast %broadcast_in_dim3A : vector<32x256x1xf32> to vector<32x256x100xf32>
    %lt3A_6 = arith.cmpf olt, %get3A_2, %lt3A : vector<32x256x100xf32>
    %convert_element_type3A = arith.extui %lt3A_6 : vector<32x256x100xi1> to vector<32x256x100xi32>
    %convert_element_type3A_7 = arith.sitofp %convert_element_type3A : vector<32x256x100xi32> to vector<32x256x100xf32>
    %reduce_sum3A = arith.constant dense<0.000000e+00> : vector<32x256xf32>
    %reduce_sum3A_8 = vector.multi_reduction <add>, %convert_element_type3A_7, %reduce_sum3A [2] : vector<32x256x100xf32> to vector<32x256xf32>
    %swap3A = arith.constant 0 : index
    %swap3A_9 = arith.constant 0 : index
    %swap3A_10 = vector.load %arg5[%swap3A, %swap3A_9] : memref<32x256xf32, #tpu.memory_space<vmem>>, vector<32x256xf32>
    tpu.vector_store %arg5[%swap3A, %swap3A_9], %reduce_sum3A_8 {strides = array<i32>} : memref<32x256xf32, #tpu.memory_space<vmem>>, vector<32x256xf32>,
    %jit3A = arith.constant 0xFF800000 : f32
    %broadcast_in_dim3A_11 = vector.broadcast %jit3A : f32 to vector<32x256x100xf32>
    %select_n3A = arith.select %lt3A_6, %get3A_2, %broadcast_in_dim3A_11 : vector<32x256x100xi1>, vector<32x256x100xf32>
    %reduce_max3A = arith.constant dense<0xFF800000> : vector<32x256xf32>
    %reduce_max3A_12 = vector.multi_reduction <maximumf>, %select_n3A, %reduce_max3A [2] : vector<32x256x100xf32> to vector<32x256xf32>
    %swap3A_13 = arith.constant 0 : index
    %swap3A_14 = arith.constant 0 : index
    %swap3A_15 = vector.load %arg6[%swap3A_13, %swap3A_14] : memref<32x256xf32, #tpu.memory_space<vmem>>, vector<32x256xf32>
    tpu.vector_store %arg6[%swap3A_13, %swap3A_14], %reduce_max3A_12 {strides = array<i32>} : memref<32x256xf32, #tpu.memory_space<vmem>>, vector<32x256xf32>,
    %jit3A_16 = arith.constant 0x7F800000 : f32
    %broadcast_in_dim3A_17 = vector.broadcast %jit3A_16 : f32 to vector<32x256x100xf32>
    %select_n3A_18 = arith.select %lt3A_6, %broadcast_in_dim3A_17, %get3A_2 : vector<32x256x100xi1>, vector<32x256x100xf32>
    %reduce_min3A = arith.constant dense<0x7F800000> : vector<32x256xf32>
    %reduce_min3A_19 = vector.multi_reduction <minimumf>, %select_n3A_18, %reduce_min3A [2] : vector<32x256x100xf32> to vector<32x256xf32>
    %swap3A_20 = arith.constant 0 : index
    %swap3A_21 = arith.constant 0 : index
    %swap3A_22 = vector.load %arg7[%swap3A_20, %swap3A_21] : memref<32x256xf32, #tpu.memory_space<vmem>>, vector<32x256xf32>
    tpu.vector_store %arg7[%swap3A_20, %swap3A_21], %reduce_min3A_19 {strides = array<i32>} : memref<32x256xf32, #tpu.memory_space<vmem>>, vector<32x256xf32>,
    %get3A_23 = arith.constant 0 : index
    %get3A_24 = arith.constant 0 : index
    %get3A_25 = vector.load %arg5[%get3A_23, %get3A_24] : memref<32x256xf32, #tpu.memory_space<vmem>>, vector<32x256xf32>
    %convert_element_type3A_26 = arith.fptosi %get3A_25 : vector<32x256xf32> to vector<32x256xi32>
    %get3A_27 = arith.constant 0 : index
    %get3A_28 = arith.constant 0 : index
    %get3A_29 = vector.load %arg6[%get3A_27, %get3A_28] : memref<32x256xf32, #tpu.memory_space<vmem>>, vector<32x256xf32>
    %get3A_30 = arith.constant 0 : index
    %get3A_31 = arith.constant 0 : index
    %get3A_32 = vector.load %arg7[%get3A_30, %get3A_31] : memref<32x256xf32, #tpu.memory_space<vmem>>, vector<32x256xf32>
    %jit3A_33 = arith.constant 10 : i32
    %div3A = vector.broadcast %jit3A_33 : i32 to vector<32x256xi32>
    %div3A_34 = arith.divsi %convert_element_type3A_26, %div3A : vector<32x256xi32>
    %sign3A = arith.constant 0 : i32
    %sign3A_35 = vector.broadcast %sign3A : i32 to vector<32x256xi32>
    %sign3A_36 = arith.cmpi sgt, %convert_element_type3A_26, %sign3A_35 : vector<32x256xi32>
    %sign3A_37 = arith.extui %sign3A_36 : vector<32x256xi1> to vector<32x256xi32>
    %sign3A_38 = arith.constant 0 : i32
    %sign3A_39 = vector.broadcast %sign3A_38 : i32 to vector<32x256xi32>
    %sign3A_40 = arith.cmpi slt, %convert_element_type3A_26, %sign3A_39 : vector<32x256xi32>
    %sign3A_41 = arith.extui %sign3A_40 : vector<32x256xi1> to vector<32x256xi32>
    %sign3A_42 = arith.subi %sign3A_37, %sign3A_41 : vector<32x256xi32>
    %sign3A_43 = arith.constant 0 : i32
    %sign3A_44 = arith.cmpi sgt, %jit3A_33, %sign3A_43 : i32
    %sign3A_45 = arith.extui %sign3A_44 : i1 to i32
    %sign3A_46 = arith.constant 0 : i32
    %sign3A_47 = arith.cmpi slt, %jit3A_33, %sign3A_46 : i32
    %sign3A_48 = arith.extui %sign3A_47 : i1 to i32
    %sign3A_49 = arith.subi %sign3A_45, %sign3A_48 : i32
    %ne3A = vector.broadcast %sign3A_49 : i32 to vector<32x256xi32>
    %ne3A_50 = arith.cmpi ne, %sign3A_42, %ne3A : vector<32x256xi32>
    %rem3A = vector.broadcast %jit3A_33 : i32 to vector<32x256xi32>
    %rem3A_51 = arith.remsi %convert_element_type3A_26, %rem3A : vector<32x256xi32>
    %ne3A_52 = arith.constant 0 : i32
    %ne3A_53 = vector.broadcast %ne3A_52 : i32 to vector<32x256xi32>
    %ne3A_54 = arith.cmpi ne, %rem3A_51, %ne3A_53 : vector<32x256xi32>
    %and3A = arith.andi %ne3A_50, %ne3A_54 : vector<32x256xi1>
    %sub3A = arith.constant 1 : i32
    %sub3A_55 = vector.broadcast %sub3A : i32 to vector<32x256xi32>
    %sub3A_56 = arith.subi %div3A_34, %sub3A_55 : vector<32x256xi32>
    %select_n3A_57 = arith.select %and3A, %sub3A_56, %div3A_34 : vector<32x256xi1>, vector<32x256xi32>
    %mul3A = arith.constant 10 : i32
    %mul3A_58 = vector.broadcast %mul3A : i32 to vector<32x256xi32>
    %mul3A_59 = arith.muli %select_n3A_57, %mul3A_58 : vector<32x256xi32>
    %eq3A = arith.cmpi eq, %convert_element_type3A_26, %mul3A_59 : vector<32x256xi32>
    %ge3A = arith.constant 1 : i32
    %ge3A_60 = vector.broadcast %ge3A : i32 to vector<32x256xi32>
    %ge3A_61 = arith.cmpi sge, %select_n3A_57, %ge3A_60 : vector<32x256xi32>
    %and3A_62 = arith.andi %eq3A, %ge3A_61 : vector<32x256xi1>
    %le3A = arith.constant 9 : i32
    %le3A_63 = vector.broadcast %le3A : i32 to vector<32x256xi32>
    %le3A_64 = arith.cmpi sle, %select_n3A_57, %le3A_63 : vector<32x256xi32>
    %and3A_65 = arith.andi %and3A_62, %le3A_64 : vector<32x256xi1>
    %jit3A_66 = arith.constant 1 : i32
    %jit3A_67 = arith.constant 9 : i32
    %max3A = vector.broadcast %jit3A_66 : i32 to vector<32x256xi32>
    %max3A_68 = arith.maxsi %max3A, %select_n3A_57 : vector<32x256xi32>
    %min3A = vector.broadcast %jit3A_67 : i32 to vector<32x256xi32>
    %min3A_69 = arith.minsi %min3A, %max3A_68 : vector<32x256xi32>
    %broadcast_in_dim3A_70 = arith.constant 0.000000e+00 : f32
    %broadcast_in_dim3A_71 = vector.broadcast %broadcast_in_dim3A_70 : f32 to vector<32x256xf32>
    %eq3A_72 = arith.constant 1 : i32
    %eq3A_73 = vector.broadcast %eq3A_72 : i32 to vector<32x256xi32>
    %eq3A_74 = arith.cmpi eq, %min3A_69, %eq3A_73 : vector<32x256xi32>
    %get3A_75 = arith.constant 0 : index
    %get3A_76 = arith.constant 1 : index
    %get3A_77 = memref.load %arg1[%get3A_75, %get3A_76] : memref<1x16xf32, #tpu.memory_space<smem>>
    %broadcast_in_dim3A_78 = vector.broadcast %get3A_77 : f32 to vector<32x256xf32>
    %select_n3A_79 = arith.select %eq3A_74, %broadcast_in_dim3A_78, %broadcast_in_dim3A_71 : vector<32x256xi1>, vector<32x256xf32>
    %eq3A_80 = arith.constant 2 : i32
    %eq3A_81 = vector.broadcast %eq3A_80 : i32 to vector<32x256xi32>
    %eq3A_82 = arith.cmpi eq, %min3A_69, %eq3A_81 : vector<32x256xi32>
    %get3A_83 = arith.constant 0 : index
    %get3A_84 = arith.constant 2 : index
    %get3A_85 = memref.load %arg1[%get3A_83, %get3A_84] : memref<1x16xf32, #tpu.memory_space<smem>>
    %broadcast_in_dim3A_86 = vector.broadcast %get3A_85 : f32 to vector<32x256xf32>
    %select_n3A_87 = arith.select %eq3A_82, %broadcast_in_dim3A_86, %select_n3A_79 : vector<32x256xi1>, vector<32x256xf32>
    %eq3A_88 = arith.constant 3 : i32
    %eq3A_89 = vector.broadcast %eq3A_88 : i32 to vector<32x256xi32>
    %eq3A_90 = arith.cmpi eq, %min3A_69, %eq3A_89 : vector<32x256xi32>
    %get3A_91 = arith.constant 0 : index
    %get3A_92 = arith.constant 3 : index
    %get3A_93 = memref.load %arg1[%get3A_91, %get3A_92] : memref<1x16xf32, #tpu.memory_space<smem>>
    %broadcast_in_dim3A_94 = vector.broadcast %get3A_93 : f32 to vector<32x256xf32>
    %select_n3A_95 = arith.select %eq3A_90, %broadcast_in_dim3A_94, %select_n3A_87 : vector<32x256xi1>, vector<32x256xf32>
    %eq3A_96 = arith.constant 4 : i32
    %eq3A_97 = vector.broadcast %eq3A_96 : i32 to vector<32x256xi32>
    %eq3A_98 = arith.cmpi eq, %min3A_69, %eq3A_97 : vector<32x256xi32>
    %get3A_99 = arith.constant 0 : index
    %get3A_100 = arith.constant 4 : index
    %get3A_101 = memref.load %arg1[%get3A_99, %get3A_100] : memref<1x16xf32, #tpu.memory_space<smem>>
    %broadcast_in_dim3A_102 = vector.broadcast %get3A_101 : f32 to vector<32x256xf32>
    %select_n3A_103 = arith.select %eq3A_98, %broadcast_in_dim3A_102, %select_n3A_95 : vector<32x256xi1>, vector<32x256xf32>
    %eq3A_104 = arith.constant 5 : i32
    %eq3A_105 = vector.broadcast %eq3A_104 : i32 to vector<32x256xi32>
    %eq3A_106 = arith.cmpi eq, %min3A_69, %eq3A_105 : vector<32x256xi32>
    %get3A_107 = arith.constant 0 : index
    %get3A_108 = arith.constant 5 : index
    %get3A_109 = memref.load %arg1[%get3A_107, %get3A_108] : memref<1x16xf32, #tpu.memory_space<smem>>
    %broadcast_in_dim3A_110 = vector.broadcast %get3A_109 : f32 to vector<32x256xf32>
    %select_n3A_111 = arith.select %eq3A_106, %broadcast_in_dim3A_110, %select_n3A_103 : vector<32x256xi1>, vector<32x256xf32>
    %eq3A_112 = arith.constant 6 : i32
    %eq3A_113 = vector.broadcast %eq3A_112 : i32 to vector<32x256xi32>
    %eq3A_114 = arith.cmpi eq, %min3A_69, %eq3A_113 : vector<32x256xi32>
    %get3A_115 = arith.constant 0 : index
    %get3A_116 = arith.constant 6 : index
    %get3A_117 = memref.load %arg1[%get3A_115, %get3A_116] : memref<1x16xf32, #tpu.memory_space<smem>>
    %broadcast_in_dim3A_118 = vector.broadcast %get3A_117 : f32 to vector<32x256xf32>
    %select_n3A_119 = arith.select %eq3A_114, %broadcast_in_dim3A_118, %select_n3A_111 : vector<32x256xi1>, vector<32x256xf32>
    %eq3A_120 = arith.constant 7 : i32
    %eq3A_121 = vector.broadcast %eq3A_120 : i32 to vector<32x256xi32>
    %eq3A_122 = arith.cmpi eq, %min3A_69, %eq3A_121 : vector<32x256xi32>
    %get3A_123 = arith.constant 0 : index
    %get3A_124 = arith.constant 7 : index
    %get3A_125 = memref.load %arg1[%get3A_123, %get3A_124] : memref<1x16xf32, #tpu.memory_space<smem>>
    %broadcast_in_dim3A_126 = vector.broadcast %get3A_125 : f32 to vector<32x256xf32>
    %select_n3A_127 = arith.select %eq3A_122, %broadcast_in_dim3A_126, %select_n3A_119 : vector<32x256xi1>, vector<32x256xf32>
    %eq3A_128 = arith.constant 8 : i32
    %eq3A_129 = vector.broadcast %eq3A_128 : i32 to vector<32x256xi32>
    %eq3A_130 = arith.cmpi eq, %min3A_69, %eq3A_129 : vector<32x256xi32>
    %get3A_131 = arith.constant 0 : index
    %get3A_132 = arith.constant 8 : index
    %get3A_133 = memref.load %arg1[%get3A_131, %get3A_132] : memref<1x16xf32, #tpu.memory_space<smem>>
    %broadcast_in_dim3A_134 = vector.broadcast %get3A_133 : f32 to vector<32x256xf32>
    %select_n3A_135 = arith.select %eq3A_130, %broadcast_in_dim3A_134, %select_n3A_127 : vector<32x256xi1>, vector<32x256xf32>
    %eq3A_136 = arith.constant 9 : i32
    %eq3A_137 = vector.broadcast %eq3A_136 : i32 to vector<32x256xi32>
    %eq3A_138 = arith.cmpi eq, %min3A_69, %eq3A_137 : vector<32x256xi32>
    %get3A_139 = arith.constant 0 : index
    %get3A_140 = arith.constant 9 : index
    %get3A_141 = memref.load %arg1[%get3A_139, %get3A_140] : memref<1x16xf32, #tpu.memory_space<smem>>
    %broadcast_in_dim3A_142 = vector.broadcast %get3A_141 : f32 to vector<32x256xf32>
    %select_n3A_143 = arith.select %eq3A_138, %broadcast_in_dim3A_142, %select_n3A_135 : vector<32x256xi1>, vector<32x256xf32>
    %sub3A_144 = arith.constant 1.000000e+00 : f32
    %sub3A_145 = vector.broadcast %sub3A_144 : f32 to vector<32x256xf32>
    %sub3A_146 = arith.subf %sub3A_145, %select_n3A_143 : vector<32x256xf32>
    %mul3A_147 = arith.mulf %get3A_29, %sub3A_146 : vector<32x256xf32>
    %mul3A_148 = arith.mulf %get3A_32, %select_n3A_143 : vector<32x256xf32>
    %add3A = arith.addf %mul3A_147, %mul3A_148 : vector<32x256xf32>
    %gt3A = arith.cmpf ogt, %get3A_5, %add3A : vector<32x256xf32>
    %convert_element_type3A_149 = arith.extui %gt3A : vector<32x256xi1> to vector<32x256xi32>
    %add3A_150 = arith.addi %select_n3A_57, %convert_element_type3A_149 : vector<32x256xi32>
    %sub3A_151 = arith.constant 1 : i32
    %sub3A_152 = vector.broadcast %sub3A_151 : i32 to vector<32x256xi32>
    %sub3A_153 = arith.subi %convert_element_type3A_26, %sub3A_152 : vector<32x256xi32>
    %max3A_154 = arith.constant 0 : i32
    %max3A_155 = vector.broadcast %max3A_154 : i32 to vector<32x256xi32>
    %max3A_156 = arith.maxsi %sub3A_153, %max3A_155 : vector<32x256xi32>
    %jit3A_157 = arith.constant 10 : i32
    %div3A_158 = vector.broadcast %jit3A_157 : i32 to vector<32x256xi32>
    %div3A_159 = arith.divsi %max3A_156, %div3A_158 : vector<32x256xi32>
    %sign3A_160 = arith.constant 0 : i32
    %sign3A_161 = vector.broadcast %sign3A_160 : i32 to vector<32x256xi32>
    %sign3A_162 = arith.cmpi sgt, %max3A_156, %sign3A_161 : vector<32x256xi32>
    %sign3A_163 = arith.extui %sign3A_162 : vector<32x256xi1> to vector<32x256xi32>
    %sign3A_164 = arith.constant 0 : i32
    %sign3A_165 = vector.broadcast %sign3A_164 : i32 to vector<32x256xi32>
    %sign3A_166 = arith.cmpi slt, %max3A_156, %sign3A_165 : vector<32x256xi32>
    %sign3A_167 = arith.extui %sign3A_166 : vector<32x256xi1> to vector<32x256xi32>
    %sign3A_168 = arith.subi %sign3A_163, %sign3A_167 : vector<32x256xi32>
    %sign3A_169 = arith.constant 0 : i32
    %sign3A_170 = arith.cmpi sgt, %jit3A_157, %sign3A_169 : i32
    %sign3A_171 = arith.extui %sign3A_170 : i1 to i32
    %sign3A_172 = arith.constant 0 : i32
    %sign3A_173 = arith.cmpi slt, %jit3A_157, %sign3A_172 : i32
    %sign3A_174 = arith.extui %sign3A_173 : i1 to i32
    %sign3A_175 = arith.subi %sign3A_171, %sign3A_174 : i32
    %ne3A_176 = vector.broadcast %sign3A_175 : i32 to vector<32x256xi32>
    %ne3A_177 = arith.cmpi ne, %sign3A_168, %ne3A_176 : vector<32x256xi32>
    %rem3A_178 = vector.broadcast %jit3A_157 : i32 to vector<32x256xi32>
    %rem3A_179 = arith.remsi %max3A_156, %rem3A_178 : vector<32x256xi32>
    %ne3A_180 = arith.constant 0 : i32
    %ne3A_181 = vector.broadcast %ne3A_180 : i32 to vector<32x256xi32>
    %ne3A_182 = arith.cmpi ne, %rem3A_179, %ne3A_181 : vector<32x256xi32>
    %and3A_183 = arith.andi %ne3A_177, %ne3A_182 : vector<32x256xi1>
    %sub3A_184 = arith.constant 1 : i32
    %sub3A_185 = vector.broadcast %sub3A_184 : i32 to vector<32x256xi32>
    %sub3A_186 = arith.subi %div3A_159, %sub3A_185 : vector<32x256xi32>
    %select_n3A_187 = arith.select %and3A_183, %sub3A_186, %div3A_159 : vector<32x256xi1>, vector<32x256xi32>
    %add3A_188 = arith.constant 1 : i32
    %add3A_189 = vector.broadcast %add3A_188 : i32 to vector<32x256xi32>
    %add3A_190 = arith.addi %add3A_189, %select_n3A_187 : vector<32x256xi32>
    %select_n3A_191 = arith.select %and3A_65, %add3A_150, %add3A_190 : vector<32x256xi1>, vector<32x256xi32>
    %swap3A_192 = arith.constant 0 : index
    %swap3A_193 = arith.constant 0 : index
    %swap3A_194 = vector.load %arg4[%swap3A_192, %swap3A_193] : memref<32x256xi32, #tpu.memory_space<vmem>>, vector<32x256xi32>
    tpu.vector_store %arg4[%swap3A_192, %swap3A_193], %select_n3A_191 {strides = array<i32>} : memref<32x256xi32, #tpu.memory_space<vmem>>, vector<32x256xi32>,
    return
  }
  func.func @transform_0(%arg0: i32) -> (i32, i32) {
    %c0_i32 = arith.constant 0 : i32
    %c0_i32_0 = arith.constant 0 : i32
    %c0_i32_1 = arith.constant 0 : i32
    return %c0_i32, %c0_i32_0 : i32, i32
  }
  func.func @transform_1(%arg0: i32) -> (i32, i32, i32) {
    %c0_i32 = arith.constant 0 : i32
    %c0_i32_0 = arith.constant 0 : i32
    %c0_i32_1 = arith.constant 0 : i32
    return %arg0, %c0_i32, %c0_i32_0 : i32, i32, i32
  }
  func.func @transform_2(%arg0: i32) -> (i32, i32) {
    %c0_i32 = arith.constant 0 : i32
    %c0_i32_0 = arith.constant 0 : i32
    return %arg0, %c0_i32 : i32, i32
  }
  func.func @transform_3(%arg0: i32) -> (i32, i32) {
    %c0_i32 = arith.constant 0 : i32
    %c0_i32_0 = arith.constant 0 : i32
    return %arg0, %c0_i32 : i32, i32
  }
}

</mosaic_0001>

<sc_bundles>
// kernel: kernel.4.cloned.1.call-start
scs
__scs_entry_jumppad:
0x0: {  	(pc) =	sbr.rel $0x88, $3  }
0x1: {  	(tag) =	ssettag $0x0;
	lr =	simm.s32 $0x1  }
0x2: {  	[smem:$0x3F9F] =	sst lr;
	_ =	strace $0xD0000000  }
0x3: {  	_ = 	snop  }
0x4: {  	_ = 	snop  }
0x5: {  	_ = 	snop  }
0x6: {  	_ = 	snop  }
0x7: {  	_ = 	snop  }
__scs_overlays_trampoline_lowered:
0x8: {  	[smem:$0x3FAE] =	sst s0  }
0x9: {  	[smem:$0x3FAF] =	sst s1  }
0xa: {  	[smem:$0x3FB0] =	sst s2  }
0xb: {  	[smem:$0x3FB1] =	sst s3  }
0xc: {  	[smem:$0x3FB2] =	sst s4  }
0xd: {  	[smem:$0x3FB3] =	sst s5  }
0xe: {  	[smem:$0x3FB4] =	sst s6  }
0xf: {  	[smem:$0x3FB5] =	sst s7  }
0x10: {  	[smem:$0x3FB6] =	sst s8  }
0x11: {  	[smem:$0x3FB7] =	sst s9;
	s0 =	simm.s32 @!p0 $0x0  }
0x12: {  	s1 =	sld [smem:$0x3F9D];
	s0 =	simm.s32 @p0 $0x1  }
0x13: {  	[smem:$0x3FB8] =	sst s0;
	s0 =	simm.s32 @!p1 $0x0  }
0x14: {  	s2 =	sld [smem:$0x3F9C];
	s0 =	simm.s32 @p1 $0x1  }
0x15: {  	[smem:$0x3FB9] =	sst s0;
	s0 =	simm.s32 @!p2 $0x0  }
0x16: {  	s3 =	sld [smem:$0x3FDB];
	s0 =	simm.s32 @p2 $0x1  }
0x17: {  	s4 =	simm.s32 $0x1BF5;
	[smem:$0x3FBB] =	sst s0  }
0x18: {  	s0 =	sld [smem:$0x3F9E];
	_ =	swait.ge [sflag:s4], $0x0  }
0x19: {  	s7 =	sld [smem:$0x3F9F]  }
0x1a: {  	s8 =	sadd.s32 $0xFFFFE003, lr  }
0x1b: {  	s9 =	sadd.s32 $0xFFFFFEF7, lr;
	s5 =	simm.s32 $0xFFFFFFFF;
	p2 =	slt.u32 s8, $0xFFFFF086  }
0x1c: {  	p1 =	slt.u32 s9, $0xF7A;
	s5 =	simm.s32 @!p2 $0x0  }
0x1d: {  	s5 =	simm.s32 @p1 $0x1;
	p0 =	seq.s32 s7, s2  }
0x1e: {  	s7 =	smul.u32 @!p0 $0xF7A, s2;
	p2 =	seq.s32 @!p0 s5, $0x0  }
0x1f: {  	s9 =	smul.u32 $0xF7A, s1;
	s8 =	simm.s32 @!p0 $0x1BF5;
	p2 =	por !p2, p0  }
0x20: {  	[sflag:s8] =	ssyncset.s32 @!p0 $0xFFFFF086;
	s6 =	sadd.s32 @!p0 s3, s7;
	s7 =	simm.s32 @!p0 $0x108  }
0x21: {  	s3 =	sadd.s32 s3, s9;
	s6 =	sadd.s32 @!p0 $0x88, s6;
	s7 =	simm.s32 @p2 $0x1082  }
0x22: {  	[simem:s7], [sflag:s8] =	dma.local @!p0 [hbm:s6], $0xF7A  }
0x23: {  	s9 =	sor.u32 $0xD0000000, s2;
	s6 =	simm.s32 $0x108;
	_ =	swait.ge @!p0 [sflag:s8], $0x0  }
0x24: {  	s3 =	sadd.s32 $0x88, s3;
	s6 =	simm.s32 @!p1 $0x1082;
	[sflag:s4] =	ssyncset.s32 $0xFFFFF086  }
0x25: {  	[simem:s6], [sflag:s4] =	dma.local [hbm:s3], $0xF7A  }
0x26: {  	[smem:$0x3F9F] =	sst s1;
	(tag) =	ssettag s2;
	_ =	strace s9  }
0x27: {  	s1 =	sld [smem:$0x3FAF]  }
0x28: {  	s2 =	sld [smem:$0x3FB0]  }
0x29: {  	s4 =	sld [smem:$0x3FB2]  }
0x2a: {  	p0 =	seq.s32 s5, $0x0;
	s5 =	sld [smem:$0x3FB3]  }
0x2b: {  	s6 =	sld [smem:$0x3FB4]  }
0x2c: {  	s7 =	sld [smem:$0x3FB5]  }
0x2d: {  	s3 =	simm.s32 $0x108;
	s8 =	sld [smem:$0x3FB6]  }
0x2e: {  	s3 =	simm.s32 @!p0 $0x1082;
	s9 =	sld [smem:$0x3FB7]  }
0x2f: {  	lr =	sadd.s32 s0, s3;
	s0 =	sld [smem:$0x3FAE]  }
0x30: {  	s3 =	sld [smem:$0x3FB1]  }
0x31: {  	[smem:$0x3FBA] =	sst s10  }
0x32: {  	s10 =	sld [smem:$0x3FB8];
	_ =	sdelay $0x3  }
0x33: {  	p0 =	seq.s32 s10, $0x1;
	s10 =	sld [smem:$0x3FBA];
	_ =	sdelay $0x3  }
0x34: {  	[smem:$0x3FBA] =	sst s10  }
0x35: {  	s10 =	sld [smem:$0x3FB9];
	_ =	sdelay $0x3  }
0x36: {  	p1 =	seq.s32 s10, $0x1;
	s10 =	sld [smem:$0x3FBA];
	_ =	sdelay $0x3  }
0x37: {  	[smem:$0x3FBA] =	sst s10  }
0x38: {  	s10 =	sld [smem:$0x3FBB]  }
0x39: {  	_ = 	snop;
	(pc) =	sbr.ind lr, $3  }
0x3a: {  	_ = 	snop  }
0x3b: {  	_ = 	snop  }
0x3c: {  	p2 =	seq.s32 s10, $0x1;
	s10 =	sld [smem:$0x3FBA]  }
0x3d: {  	_ =	shalt  }
0x3e: {  	_ =	shalt  }
0x3f: {  	_ =	shalt  }
0x40: {  	_ =	shalt  }
0x41: {  	_ =	shalt  }
0x42: {  	_ =	shalt  }
0x43: {  	_ =	shalt  }
0x44: {  	_ =	shalt  }
0x45: {  	_ =	shalt  }
0x46: {  	_ =	shalt  }
0x47: {  	_ =	shalt  }
0x48: {  	_ =	shalt  }
0x49: {  	_ =	shalt  }
0x4a: {  	_ =	shalt  }
0x4b: {  	_ =	shalt  }
0x4c: {  	_ =	shalt  }
0x4d: {  	_ =	shalt  }
0x4e: {  	_ =	shalt  }
0x4f: {  	_ =	shalt  }
0x50: {  	_ =	shalt  }
0x51: {  	_ =	shalt  }
0x52: {  	_ =	shalt  }
0x53: {  	_ =	shalt  }
0x54: {  	_ =	shalt  }
0x55: {  	_ =	shalt  }
0x56: {  	_ =	shalt  }
0x57: {  	_ =	shalt  }
0x58: {  	_ =	shalt  }
0x59: {  	_ =	shalt  }
0x5a: {  	_ =	shalt  }
0x5b: {  	_ =	shalt  }
0x5c: {  	_ =	shalt  }
0x5d: {  	_ =	shalt  }
0x5e: {  	_ =	shalt  }
0x5f: {  	_ =	shalt  }
0x60: {  	_ =	shalt  }
0x61: {  	_ =	shalt  }
0x62: {  	_ =	shalt  }
0x63: {  	_ =	shalt  }
0x64: {  	_ =	shalt  }
0x65: {  	_ =	shalt  }
0x66: {  	_ =	shalt  }
0x67: {  	_ =	shalt  }
0x68: {  	_ =	shalt  }
0x69: {  	_ =	shalt  }
0x6a: {  	_ =	shalt  }
0x6b: {  	_ =	shalt  }
0x6c: {  	_ =	shalt  }
0x6d: {  	_ =	shalt  }
0x6e: {  	_ =	shalt  }
0x6f: {  	_ =	shalt  }
0x70: {  	_ =	shalt  }
0x71: {  	_ =	shalt  }
0x72: {  	_ =	shalt  }
0x73: {  	_ =	shalt  }
0x74: {  	_ =	shalt  }
0x75: {  	_ =	shalt  }
0x76: {  	_ =	shalt  }
0x77: {  	_ =	shalt  }
0x78: {  	_ =	shalt  }
0x79: {  	_ =	shalt  }
0x7a: {  	_ =	shalt  }
0x7b: {  	_ =	shalt  }
0x7c: {  	_ =	shalt  }
0x7d: {  	_ =	shalt  }
0x7e: {  	_ =	shalt  }
0x7f: {  	_ =	shalt  }
0x80: {  	_ =	shalt  }
0x81: {  	_ =	shalt  }
0x82: {  	_ =	shalt  }
0x83: {  	_ =	shalt  }
0x84: {  	_ =	shalt  }
0x85: {  	_ =	shalt  }
0x86: {  	_ =	shalt  }
0x87: {  	_ =	shalt  }
.Lfunc_end0:
.L_simem_size_0:
called_computation_lowered:
.L_overlay_start_0:
0x88: {  	s2 =	sld [smem:$0x3FD9]  }
0x89: {  	s3 =	sld [smem:$0x3FFE];
	_ =	sdelay $0x1  }
0x8a: {  	s1 =	srdreg.scid  }
0x8b: {  	s0 =	sand.u32 $0x1, s1  }
0x8c: {  	s16 =	sshll.u32 s0, $0xA;
	s2 =	sadd.s32 s3, s2  }
0x8d: {  	s2 =	sadd.s32 s2, s16  }
0x8e: {  	[smem:$0x3FC6] =	sst s2  }
0x8f: {  	_ = 	snop  }
0x90: {  	(tm) =	ssettm $0x1  }
0x91: {  	s17 =	sld [smem:$0x3FFB];
	_ =	sdelay $0x3  }
0x92: {  	_ =	strace s17  }
0x93: {  	s2 =	sld [smem:$0x3FFC];
	_ =	sdelay $0x3  }
0x94: {  	_ =	strace s2  }
0x95: {  	s2 =	sld [smem:$0x3FFD];
	_ =	sdelay $0x3  }
0x96: {  	_ =	strace s2  }
0x97: {  	_ =	strace $0x8FFFFFFF  }
0x98: {  	s18 =	sld [smem:$0x3FDB];
	_ =	sdelay $0x1  }
0x99: {  	s19 =	simm.s32 $_scs_section_size  }
0x9a: {  	s4 =	simm.s32 $_size__tile_overlayer_lowered;
	s5 =	simm.s32 $_tile_overlayer_lowered  }
0x9b: {  	s22 =	simm.s32 $0x1BFF;
	s21 =	sshll.u32 s5, $0x1;
	s2 =	sadd.s32 s19, s18  }
0x9c: {  	s6 =	simm.s32 $0x0;
	s20 =	sshll.u32 s4, $0x1;
	s4 =	sadd.s32 s21, s2  }
0x9d: {  	[timem:s6], [sflag:s22] =	dma.local [hbm:s4], s20  }
0x9e: {  	_ =	swait.ge [sflag:s22], s20  }
0x9f: {  	s3 =	ssub.s32 $0x0, s20;
	[sflag:s22] =	ssyncset.done $0x0  }
0xa0: {  	[sflag:s22] =	ssyncadd.s32 s3;
	_ =	sdelay $0x1  }
0xa1: {  	s23 =	simm.s32 $0x1B8B  }
0xa2: {  	_ =	swait.ge [sflag:s23], $0x1  }
0xa3: {  	[sflag:s23] =	ssyncset.done $0x0  }
0xa4: {  	s25 =	simm.s32 $0x1B8E;
	s24 =	sld [smem:$0x3FFE];
	[sflag:s23] =	ssyncadd.s32 $0xFFFFFFFF  }
0xa5: {  	s26 =	simm.s32 $execute0_lowered;
	[smem:$0x3FD2] =	sst s25  }
0xa6: {  	s4 =	sshll.u32 s26, $0x1;
	_ =	strace $0x80000046;
	[dreg:$0x1] =	wrdreg $0xFFFFFFFF  }
0xa7: {  	s28 =	simm.s32 $_size_execute0_lowered;
	s2 =	sadd.s32 s2, s4;
	[dreg:$0x0] =	wrdreg $0x0  }
0xa8: {  	s4 =	sshll.u32 s28, $0x1;
	[dreg:$0x2] =	wrdreg s2  }
0xa9: {  	[dreg:$0x3] =	wrdreg s4  }
0xaa: {  	[dreg:$0x4] =	wrdreg $0xC0  }
0xab: {  	_ =	task [dreg:s6], $0x5FFFF  }
0xac: {  	[dreg:$0x1] =	wrdreg $0xFFFFFFFF  }
0xad: {  	[dreg:$0x0] =	wrdreg $0x60  }
0xae: {  	[dreg:$0x2] =	wrdreg s24  }
0xaf: {  	[dreg:$0x3] =	wrdreg $0x9  }
0xb0: {  	_ =	task.clear_ibuf [dreg:s6], $0x4FFFF;
	_ =	strace $0x90000046  }
0xb1: {  	s29 =	simm.s32 $0x9;
	_ =	strace $0x80000048  }
0xb2: {  	_ =	swait.ge [sflag:s29], $0x1  }
0xb3: {  	[sflag:s29] =	ssyncadd.s32 $0xFFFFFFFF  }
0xb4: {  	_ =	strace $0x90000048  }
0xb5: {  	_ =	sfence  }
0xb6: {  	s30 =	sld [smem:$0x0];
	_ =	sdelay $0x2  }
0xb7: {  	s31 =	sshll.u32 s1, $0xD;
	s1 =	sshrl.u32 s1, $0x2  }
0xb8: {  	s3 =	sand.u32 $0x4000, s31;
	s1 =	sadd.s32 s1, s30  }
0xb9: {  	s0 =	sor.u32 s3, s0;
	s1 =	sshll.u32 s1, $0x11  }
0xba: {  	s0 =	sor.u32 s1, s0  }
0xbb: {  	s0 =	sadd.s32 $0x8F2B, s0  }
0xbc: {  	[sflag:s0] =	ssyncadd.remote.s32 $0x1  }
0xbd: {  	_ =	sfence.sel $0xFFFF  }
0xbe: {  	[dreg:$0x0] =	wrdreg $0xFFFFFFFF;
	(pc) =	sbr.abs _section_cstart, $3  }
0xbf: {  	[dreg:$0x1] =	wrdreg $0xFFFFFFFF  }
0xc0: {  	_ =	task.clear_ibuf [dreg:s6], $0x2FFFF;
	_ =	strace $0x9FFFFFFF  }
0xc1: {  	(tm) =	ssettm $0x7FFFFFFF  }
tec
execute0_lowered:
.L_overlay_start_1:
0x0: {  	(tag) =	ssettag $0x1  }
0x1: {  	v0 =	vimm.s32 $0xEFCDAB89;
	v1 =	vimm.s32 $0x67452301;
	v2 =	vimm.s32 $0xDCFE98BA  }
0x2: {  	v3 =	vimm.s32 $0x54761032;
	v4 =	vimm.s32 $0xBA98FEDC;
	v5 =	vimm.s32 $0x32107654  }
0x3: {  	v6 =	vimm.s32 $0xFEDCBA98;
	v7 =	vimm.s32 $0x76543210;
	vm0 =	vmmov $0x1  }
0x4: {  	vm5 =	vcmask $0x1328;
	vm6 =	vcmask $0x1728;
	vm7 =	vcmask $0x1B28  }
0x5: {  	s3 =	rddreg [dreg:$0x0];
	s2 =	srdreg.scid;
	vm8 =	vcmask $0x1F28;
	v0 =	vunpack.c.l.s4.s8 v0;
	v1 =	vunpack.c.l.s4.s8 v1  }
0x6: {  	s0 =	rddreg [dreg:$0x1];
	s1 =	simm.s32 $0x0;
	v2 =	vunpack.c.l.s4.s8 v2;
	v3 =	vunpack.c.l.s4.s8 v3;
	v4 =	vunpack.c.l.s4.s8 v4;
	s4 =	sand.u32 $0x1, s2  }
0x7: {  	v5 =	vunpack.c.l.s4.s8 v5;
	v6 =	vunpack.c.l.s4.s8 v6;
	[smem:$0x7FF] =	sst s1;
	s2 =	stileid.u32;
	s5 =	sshll.u32 s4, $0x4;
	v0 =	vunpack.c.0.s8.s32 v0  }
0x8: {  	_ =	strace $0x80000047;
	s6 =	sshll.u32 s2, $0x4;
	s4 =	ssub.s32 $0x2, s4;
	v1 =	vunpack.c.0.s8.s32 v1;
	v2 =	vunpack.c.0.s8.s32 v2;
	v3 =	vunpack.c.0.s8.s32 v3  }
0x9: {  	v7 =	vunpack.c.l.s4.s8 v7;
	v4 =	vunpack.c.0.s8.s32 v4;
	v5 =	vunpack.c.0.s8.s32 v5;
	s5 =	sor.u32 s2, s5;
	s6 =	sand.u32 $0x70, s6;
	s8 =	sshrl.u32 s4, $0x1  }
0xa: {  	s7 =	sshll.u32 s5, $0x4;
	s6 =	sadd.s32 s6, s3;
	s30 =	sshll.u32 s5, $0x9;
	v1 =	vcombine.low v1, v0;
	v2 =	vcombine.low v3, v2;
	v3 =	vunpack.c.0.s8.s32 v6  }
0xb: {  	vm9 =	vcmask $0x2328;
	s8 =	ssub.s32 s4, s8;
	v4 =	vcombine.low v5, v4;
	v5 =	vunpack.c.0.s8.s32 v7;
	s7 =	sand.u32 $0x180, s7;
	s3 =	sadd.s32 s3, s30  }
0xc: {  	v0 =	vimm.s32 $0x0;
	s5 =	smax.u32 s8, $0x1;
	s8 =	simm.s32 $0x0;
	s31 =	sadd.s32 s7, s6;
	v1 =	vand.u32 $0xF, v1;
	v6 =	vand.u32 $0xF, v3  }
0xd: {  	s6 =	simm.s32 $0x1;
	s7 =	simm.s32 $0x1000;
	v2 =	vand.u32 $0xF, v2;
	v3 =	vand.u32 $0xF, v4;
	s4 =	sadd.s32 $0x4000, s31;
	v4 =	vcombine.low v6, v5  }
.LBB2_1:
0xe: {  	[tilespmem:s1], [sflag:$0x1] =	stream.linear.gather [hbm4b:s3+s1], $0x1000, $0x38;
	[tilespmem:$0x1080] =	vst v63  }
0xf: {  	_ =	swait.ge [sflag:s6], $0x1000  }
0x10: {  	[sflag:s6] =	ssyncset.done $0x0  }
0x11: {  	s9 =	simm.s32 $0x0;
	[sflag:s6] =	ssyncadd.s32 $0xFFFFF000  }
0x12: {  	v6 =	vld [tilespmem:s9+$0x0];
	_ =	sdelay $0x2  }
0x13: {  	v7 =	vimm.s32 $0x0;
	v8 =	vimm.s32 $0x0;
	v9 =	vimm.s32 $0x0  }
0x14: {  	v10 =	vimm.s32 $0x0;
	v11 =	vimm.s32 $0x0;
	v13 =	vimm.s32 $0x0  }
0x15: {  	v14 =	vimm.s32 $0x0;
	v12 =	vimm.s32 $0x0;
	vm1 =	vgt.s32 v6, $0x0  }
0x16: {  	vm2 =	vgt.s32 v6, $0x1;
	vm11 =	vgt.s32 v6, $0x9;
	vm3 =	vgt.s32 v6, $0x2  }
0x17: {  	vm10 =	vgt.s32 v6, $0x3;
	vm12 =	vgt.s32 v6, $0x5;
	vm13 =	vgt.s32 v6, $0x6  }
0x18: {  	vm14 =	vgt.s32 v6, $0x7;
	vm15 =	vgt.s32 v6, $0x8;
	v5 =	vsel vm11, $0x1, v0  }
0x19: {  	vm11 =	vgt.s32 v6, $0x4;
	v15 =	vsel vm1, $0x1, v0;
	v16 =	vsel vm2, $0x1, v0  }
0x1a: {  	s10 =	simm.s32 $0x10;
	s9 =	simm.s32 $0x80;
	v17 =	vsel vm3, $0x1, v0;
	v6 =	vimm.s32 $0x0;
	v5 =	vadd.s32 v5, v0  }
.LBB2_2:
0x1b: {  	p0 =	sne.s32 s9, $0x3FC0;
	v18 =	vld [tilespmem:s10+$0x0];
	v19 =	vsel vm10, $0x1, v0;
	v20 =	vsel vm11, $0x1, v0;
	v21 =	vsel vm12, $0x1, v0  }
0x1c: {  	v22 =	vsel vm13, $0x1, v0;
	v23 =	vsel vm14, $0x1, v0;
	v24 =	vsel vm15, $0x1, v0  }
0x1d: {  	v6 =	vadd.s32 v15, v6;
	v7 =	vadd.s32 v16, v7;
	v8 =	vadd.s32 v17, v8  }
0x1e: {  	v9 =	vadd.s32 v19, v9;
	v10 =	vadd.s32 v20, v10;
	v11 =	vadd.s32 v21, v11  }
0x1f: {  	v13 =	vadd.s32 v22, v13;
	v14 =	vadd.s32 v23, v14;
	v12 =	vadd.s32 v24, v12  }
.Ltmp0:
0x20: {  	vm1 =	vgt.s32 v18, $0x0;
	vm2 =	vgt.s32 v18, $0x1;
	vm3 =	vgt.s32 v18, $0x9;
	(pc) =	sbr.rel @p0 .LBB2_2-.Ltmp0, $4  }
0x21: {  	vm4 =	vgt.s32 v18, $0x2;
	vm10 =	vgt.s32 v18, $0x3;
	v15 =	vsel vm3, $0x1, v0  }
0x22: {  	vm11 =	vgt.s32 v18, $0x4;
	vm12 =	vgt.s32 v18, $0x5;
	v5 =	vadd.s32 v15, v5  }
0x23: {  	vm13 =	vgt.s32 v18, $0x6;
	vm14 =	vgt.s32 v18, $0x7;
	vm15 =	vgt.s32 v18, $0x8  }
0x24: {  	s10 =	sshra.s32 s9, $0x2;
	s9 =	sadd.s32 $0x40, s9;
	v16 =	vsel vm2, $0x1, v0;
	v17 =	vsel vm4, $0x1, v0;
	v15 =	vsel vm1, $0x1, v0  }
0x25: {  	v18 =	vld [tilespmem:s10+$0x0];
	v19 =	vsel vm10, $0x1, v0;
	v20 =	vsel vm11, $0x1, v0;
	v21 =	vsel vm12, $0x1, v0  }
0x26: {  	v22 =	vsel vm13, $0x1, v0;
	v23 =	vsel vm14, $0x1, v0;
	v24 =	vsel vm15, $0x1, v0  }
0x27: {  	v6 =	vadd.s32 v15, v6;
	v7 =	vadd.s32 v16, v7;
	v8 =	vadd.s32 v17, v8  }
0x28: {  	v9 =	vadd.s32 v19, v9;
	v10 =	vadd.s32 v20, v10;
	v11 =	vadd.s32 v21, v11  }
0x29: {  	v13 =	vadd.s32 v22, v13;
	v14 =	vadd.s32 v23, v14;
	v12 =	vadd.s32 v24, v12  }
0x2a: {  	vm1 =	vgt.s32 v18, $0x0;
	vm2 =	vgt.s32 v18, $0x9;
	vm3 =	vgt.s32 v18, $0x1  }
0x2b: {  	v25 =	vsel vm2, $0x1, v0;
	vm2 =	vgt.s32 v18, $0x2;
	v26 =	vsel vm1, $0x1, v0  }
0x2c: {  	vm1 =	vgt.s32 v18, $0x3;
	v27 =	vsel vm3, $0x1, v0;
	vm3 =	vgt.s32 v18, $0x4  }
0x2d: {  	v28 =	vsel vm2, $0x1, v0;
	vm2 =	vgt.s32 v18, $0x5;
	v29 =	vsel vm1, $0x1, v0  }
0x2e: {  	vm1 =	vgt.s32 v18, $0x6;
	v30 =	vsel vm3, $0x1, v0;
	vm3 =	vgt.s32 v18, $0x7  }
0x2f: {  	v6 =	vadd.s32 v26, v6;
	v5 =	vadd.s32 v25, v5;
	v7 =	vadd.s32 v27, v7  }
0x30: {  	v31 =	vsel vm2, $0x1, v0;
	vm2 =	vgt.s32 v18, $0x8;
	v37 =	vsel vm1, $0x1, v0  }
0x31: {  	v32 =	vsel vm3, $0x1, v0;
	v38 =	vperm.xlane v6, v1;
	v8 =	vadd.s32 v28, v8  }
0x32: {  	v9 =	vadd.s32 v29, v9;
	v10 =	vadd.s32 v30, v10;
	v39 =	vperm.xlane v7, v1  }
0x33: {  	v58 =	vperm.xlane v5, v1;
	vm1 =	vcmask $0x328;
	v33 =	vsel vm2, $0x1, v0  }
0x34: {  	v11 =	vadd.s32 v31, v11;
	v13 =	vadd.s32 v37, v13;
	v41 =	vperm.xlane v8, v1  }
0x35: {  	v14 =	vadd.s32 v32, v14;
	v43 =	vperm.xlane v9, v1;
	v45 =	vperm.xlane v10, v1  }
0x36: {  	v6 =	vadd.s32 v6, v38;
	v7 =	vadd.s32 v7, v39;
	v50 =	vperm.xlane v11, v1  }
0x37: {  	v12 =	vadd.s32 v33, v12;
	v52 =	vperm.xlane v13, v1;
	v53 =	vperm.xlane v14, v1  }
0x38: {  	v5 =	vadd.s32 v5, v58;
	v40 =	vperm.xlane v6, v2;
	v42 =	vperm.xlane v7, v2  }
0x39: {  	v8 =	vadd.s32 v8, v41;
	v9 =	vadd.s32 v9, v43;
	v56 =	vperm.xlane v12, v1  }
0x3a: {  	v10 =	vadd.s32 v10, v45;
	v60 =	vperm.xlane v5, v2;
	v15 =	vperm.xlane v8, v2  }
0x3b: {  	v17 =	vperm.xlane v9, v2;
	v11 =	vadd.s32 v11, v50;
	v13 =	vadd.s32 v13, v52  }
0x3c: {  	v14 =	vadd.s32 v14, v53;
	v6 =	vadd.s32 v40, v6;
	v7 =	vadd.s32 v42, v7  }
0x3d: {  	v54 =	vperm.xlane v11, v2;
	v12 =	vadd.s32 v12, v56;
	v5 =	vadd.s32 v60, v5  }
0x3e: {  	v44 =	vperm.xlane v6, v3;
	v16 =	vperm.xlane v7, v3;
	v8 =	vadd.s32 v15, v8  }
0x3f: {  	v9 =	vadd.s32 v17, v9;
	v15 =	vperm.xlane v10, v2;
	v61 =	vperm.xlane v5, v3  }
0x40: {  	v46 =	vperm.xlane v8, v3;
	v48 =	vperm.xlane v9, v3;
	v11 =	vadd.s32 v54, v11  }
0x41: {  	v6 =	vadd.s32 v44, v6;
	v7 =	vadd.s32 v16, v7;
	v10 =	vadd.s32 v15, v10  }
0x42: {  	v15 =	vperm.xlane v14, v2;
	v57 =	vperm.xlane v11, v3;
	v5 =	vadd.s32 v61, v5  }
0x43: {  	v18 =	vperm.xlane v6, v4;
	v47 =	vperm.xlane v7, v4;
	v8 =	vadd.s32 v46, v8  }
0x44: {  	v9 =	vadd.s32 v48, v9;
	v51 =	vperm.xlane v10, v3;
	v63 =	vperm.xlane v5, v4  }
0x45: {  	v16 =	vperm.xlane v8, v4;
	v49 =	vperm.xlane v9, v4;
	v14 =	vadd.s32 v15, v14  }
0x46: {  	v11 =	vadd.s32 v57, v11;
	v6 =	vadd.s32 v18, v6;
	v7 =	vadd.s32 v47, v7  }
0x47: {  	v10 =	vadd.s32 v51, v10;
	v18 =	vperm.xlane v13, v2;
	v15 =	vperm.xlane v14, v3  }
0x48: {  	v17 =	vperm.xlane v11, v4;
	v8 =	vadd.s32 v16, v8;
	v9 =	vadd.s32 v49, v9  }
0x49: {  	v55 =	vperm.xlane v10, v4;
	v16 =	vperm.xlane v12, v2;
	v6 =	vsub.s32 v6, v7  }
0x4a: {  	v13 =	vadd.s32 v18, v13;
	v14 =	vadd.s32 v15, v14;
	v11 =	vadd.s32 v17, v11  }
0x4b: {  	v6 =	vnsel vm0, $0x0, v6;
	v7 =	vsub.s32 v7, v8;
	v10 =	vadd.s32 v55, v10  }
0x4c: {  	v18 =	vperm.xlane v13, v3;
	v12 =	vadd.s32 v16, v12;
	v15 =	vperm.xlane v14, v4  }
0x4d: {  	v6 =	vsel vm1, v6, v7;
	v7 =	vsub.s32 v8, v9;
	vm1 =	vcmask $0x728  }
0x4e: {  	v16 =	vperm.xlane v12, v3;
	v6 =	vsel vm1, v6, v7;
	v13 =	vadd.s32 v18, v13  }
0x4f: {  	v7 =	vsub.s32 v9, v10;
	vm1 =	vcmask $0xB28;
	v59 =	vperm.xlane v13, v4  }
0x50: {  	v6 =	vsel vm1, v6, v7;
	v7 =	vsub.s32 v10, v11;
	v12 =	vadd.s32 v16, v12  }
0x51: {  	vm1 =	vcmask $0xF28;
	v62 =	vperm.xlane v12, v4;
	v13 =	vadd.s32 v59, v13  }
0x52: {  	v14 =	vadd.s32 v15, v14;
	v6 =	vsel vm1, v6, v7;
	v7 =	vsub.s32 v11, v13  }
0x53: {  	v8 =	vadd.s32 v62, v12;
	v6 =	vsel vm5, v6, v7;
	v7 =	vsub.s32 v13, v14  }
0x54: {  	v5 =	vadd.s32 v63, v5;
	v6 =	vsel vm6, v6, v7;
	v7 =	vsub.s32 v14, v8  }
0x55: {  	v6 =	vsel vm7, v6, v7;
	v7 =	vsub.s32 v8, v5  }
0x56: {  	s8 =	sadd.s32 $0x1, s8;
	v6 =	vsel vm8, v6, v7  }
0x57: {  	p0 =	sne.s32 s8, s5;
	v5 =	vsel vm9, v6, v5  }
.Ltmp1:
0x58: {  	[tilespmem:$0x1000] =	vst v5;
	(pc) =	sbr.rel @p0 .LBB2_1-.Ltmp1, $4  }
0x59: {  	[hbm4b:s4+s1] =	stream.linear.scatter [tilespmem:s7], [sflag:$0x1], $0x80, $0x38;
	[tilespmem:$0x1080] =	vst v63  }
0x5a: {  	_ =	swait.ge [sflag:s6], $0x80  }
0x5b: {  	[sflag:s6] =	ssyncset.done $0x0  }
0x5c: {  	[sflag:s6] =	ssyncadd.s32 $0xFFFFFF80  }
0x5d: {  	_ =	sfence.sel $0x180000  }
0x5e: {  	[bflag:$0x0] =	sbarrier.arrive $0xFFFF  }
0x5f: {  	p0 =	sne.s32 s2, $0x0;
	_ =	strace $0x90000047  }
0x60: {  	s0 =	sadd.s32 @!p0 $0x100000, s0;
	[bflag:$0x2] =	sbarrier.arrive $0xFFFF  }
0x61: {  	[sflag:s0] =	ssyncadd.tile.s32 @!p0 $0x1;
	_ =	shalt  }
.Lfunc_end2:
_tile_overlayer_lowered:
.L_overlay_start_2:
0x62: {  	(tag) =	ssettag $0x2  }
0x63: {  	s0 =	rddreg [dreg:$0x0];
	s2 =	stileid.u32  }
0x64: {  	s1 =	rddreg [dreg:$0x1];
	p0 =	sne.s32 s2, $0x0  }
0x65: {  	s3 =	rddreg [dreg:$0x2];
	[bflag:$0x3] =	sbarrier.arrive $0xFFFF;
	s2 =	simm.s32 @!p0 $0x1C01  }
0x66: {  	[timem:s3], [sflag:s2] =	dma.local @!p0 [hbm:s0], s1  }
0x67: {  	s0 =	simm.s32 @!p0 $0x1  }
0x68: {  	_ =	swait.ge @!p0 [sflag:s0], s1  }
0x69: {  	s1 =	ssub.s32 @!p0 $0x0, s1;
	[sflag:s0] =	ssyncset.done @!p0 $0x0  }
0x6a: {  	[sflag:s0] =	ssyncadd.s32 @!p0 s1  }
0x6b: {  	[bflag:$0x3] =	sbarrier.arrive $0xFFFF  }
0x6c: {  	_ =	shalt  }

</sc_bundles>
